<compile_context>
chip_gen: v7x
topology: tpu7x:2x2x1
jax: 0.10.2.dev20260603
libtpu: 0.0.44.dev20260713+nightly
codegen_flags: <defaults>
</compile_context>

<pallas_src>
import functools
import math

import jax
import jax.numpy as jnp
import numpy as np
from jax import lax
from jax.experimental import pallas as pl
from jax.experimental.pallas import tpu as pltpu
from jax.experimental.pallas import tpu_sc as plsc

_D = 128
_QN = 4096
_KN = 100000
_TOPK = 64

_GRP = 128
_KNP = 102400
_NG = _KNP // _GRP
_CHUNK = 1024
_NCH = _KNP // _CHUNK
_CAPG = 192
_CAP = 256

_NEG = np.float32(-1e30)
_NEGINF = np.float32(-3e38)

_BQ = 512
_BK = 2048


def _scores_body(q_ref, k_ref, s_ref, g_ref):
    ki = pl.program_id(0)
    scale = jnp.float32(1.0 / math.sqrt(_D))
    s = lax.dot_general(q_ref[...], k_ref[...],
                        (((1,), (1,)), ((), ())),
                        preferred_element_type=jnp.float32) * scale
    gidx = ki * _BK + lax.broadcasted_iota(jnp.int32, (_BQ, _BK), 1)
    s = jnp.where(gidx < _KN, s, _NEG)
    s_ref[...] = s.reshape(_BQ, _BK // _GRP, _GRP)
    g = jnp.max(s.reshape(_BQ, _BK // _GRP, _GRP), axis=2)
    g_ref[...] = g.T


def _scores(q, kp):
    return pl.pallas_call(
        _scores_body,
        grid=(_KNP // _BK, _QN // _BQ),
        in_specs=[
            pl.BlockSpec((_BQ, _D), lambda ki, qi: (qi, 0)),
            pl.BlockSpec((_BK, _D), lambda ki, qi: (ki, 0)),
        ],
        out_specs=[
            pl.BlockSpec((_BQ, _BK // _GRP, _GRP), lambda ki, qi: (qi, ki, 0)),
            pl.BlockSpec((_BK // _GRP, _BQ), lambda ki, qi: (ki, qi)),
        ],
        out_shape=[
            jax.ShapeDtypeStruct((_QN, _NG, _GRP), jnp.float32),
            jax.ShapeDtypeStruct((_NG, _QN), jnp.float32),
        ],
    )(q, kp)


_BQ2 = 512


def _thresh_body(g_ref, t_ref):
    g = g_ref[...]
    cmax = jnp.max(g.reshape(_NCH, _CHUNK // _GRP, _BQ2), axis=1)
    c = jnp.concatenate(
        [cmax, jnp.full((128 - _NCH, _BQ2), _NEG, jnp.float32)], axis=0)
    sub = lax.broadcasted_iota(jnp.int32, (128, _BQ2), 0)

    def step(_, carry):
        c, _m = carry
        m = jnp.max(c, axis=0, keepdims=True)
        eq = c == m
        pos = jnp.min(jnp.where(eq, sub, jnp.int32(1 << 30)),
                      axis=0, keepdims=True)
        c = jnp.where(sub == pos, _NEG, c)
        return c, m

    _, m = lax.fori_loop(0, _TOPK, step, (c, jnp.zeros((1, _BQ2), jnp.float32)))
    t_ref[...] = m


def _thresholds(gmax_t):
    return pl.pallas_call(
        _thresh_body,
        grid=(_QN // _BQ2,),
        in_specs=[pl.BlockSpec((_NG, _BQ2), lambda i: (0, i))],
        out_specs=pl.BlockSpec((1, _BQ2), lambda i: (0, i)),
        out_shape=jax.ShapeDtypeStruct((1, _QN), jnp.float32),
    )(gmax_t)


_NWORKERS = 32
_ROWS_PER_W = _QN // _NWORKERS
_SLACK = _CAP + _CAPG * _GRP


def _cand_body(scores2d, gmax_hbm, thr_hbm, vals_hbm, idx_hbm,
               gmax_v, thr_v, gids_a, gids_b, grp_a, grp_b,
               cv_v, ci_v, sem):
    cid = lax.axis_index("c")
    sid = lax.axis_index("s")
    wid = sid * 2 + cid
    iota16 = lax.iota(jnp.int32, 16)
    negs = jnp.full((16,), _NEG, jnp.float32)
    zeros = jnp.zeros((16,), jnp.int32)

    pltpu.sync_copy(thr_hbm.at[wid], thr_v)

    def stage1(i, gids_v, grp_v):
        r = wid * _ROWS_PER_W + i
        rbase = r * _NG
        pltpu.sync_copy(gmax_hbm.at[r], gmax_v)
        t = plsc.load_gather(thr_v, [jnp.full((16,), i, jnp.int32)])
        dummy = jnp.full((16,), rbase + _NG - 1, jnp.int32)

        def init_g(j, _):
            gids_v[pl.ds(j * 16, 16)] = dummy
            return 0

        lax.fori_loop(0, _CAPG // 16, init_g, 0)

        def scan_body(j, ngv):
            g = gmax_v[pl.ds(j * 16, 16)]
            m = g >= t
            mi = m.astype(jnp.int32)
            pos = jnp.where(m, ngv + plsc.cumsum(mi) - 1, jnp.int32(_NG))
            plsc.store_scatter(gids_v, [pos], rbase + j * 16 + iota16)
            return ngv + plsc.all_reduce_population_count(m)

        ngv = lax.fori_loop(0, _NG // 16, scan_body,
                            jnp.zeros((16,), jnp.int32))
        ng = jnp.max(ngv)
        pltpu.async_copy(scores2d.at[gids_v.at[pl.ds(0, 96)]],
                         grp_v.at[pl.ds(0, 96)], sem)

        @pl.when(ng > 96)
        def _():
            pltpu.async_copy(scores2d.at[gids_v.at[pl.ds(96, 96)]],
                             grp_v.at[pl.ds(96, 96)], sem)

        return ng

    def stage2(i, ng, gids_v, grp_v):
        r = wid * _ROWS_PER_W + i
        rbase = r * _NG
        t = plsc.load_gather(thr_v, [jnp.full((16,), i, jnp.int32)])

        def init_c(j, _):
            cv_v[pl.ds(j * 16, 16)] = negs
            ci_v[pl.ds(j * 16, 16)] = zeros
            return 0

        lax.fori_loop(0, _CAP // 16, init_c, 0)

        pltpu.make_async_copy(scores2d.at[gids_v.at[pl.ds(0, 96)]],
                              grp_v.at[pl.ds(0, 96)], sem).wait()

        @pl.when(ng > 96)
        def _():
            pltpu.make_async_copy(scores2d.at[gids_v.at[pl.ds(96, 96)]],
                                  grp_v.at[pl.ds(96, 96)], sem).wait()

        def filt_body(jj, ncv):
            j = lax.shift_right_logical(jj, 3)
            c0 = (jj & 7) * 16
            v = grp_v[j, pl.ds(c0, 16)]
            m = v >= t
            mi = m.astype(jnp.int32)
            pos = jnp.where(m, ncv + plsc.cumsum(mi) - 1, jnp.int32(_SLACK))
            plsc.store_scatter(cv_v, [pos], v)
            plsc.store_scatter(ci_v, [pos], jj * 16 + iota16)
            return ncv + plsc.all_reduce_population_count(m)

        nlive = jnp.minimum(ng, jnp.int32(_CAPG))
        lax.fori_loop(0, nlive * 8, filt_body, jnp.zeros((16,), jnp.int32))

        def conv_body(u, _):
            a = ci_v[pl.ds(u * 16, 16)]
            gid = plsc.load_gather(gids_v, [lax.shift_right_logical(a, 7)])
            ci_v[pl.ds(u * 16, 16)] = (gid - rbase) * _GRP + (a & 127)
            return 0

        lax.fori_loop(0, _CAP // 16, conv_body, 0)

        pltpu.sync_copy(cv_v.at[pl.ds(0, _CAP)], vals_hbm.at[r])
        pltpu.sync_copy(ci_v.at[pl.ds(0, _CAP)], idx_hbm.at[r])

    def pair_body(p, ng_prev):
        a = 2 * p
        ng_a = stage1(a, gids_a, grp_a)

        @pl.when(p > 0)
        def _():
            stage2(a - 1, ng_prev, gids_b, grp_b)

        ng_b = stage1(a + 1, gids_b, grp_b)
        stage2(a, ng_a, gids_a, grp_a)
        return ng_b

    ng_last = lax.fori_loop(0, _ROWS_PER_W // 2, pair_body, jnp.int32(0))
    stage2(_ROWS_PER_W - 1, ng_last, gids_b, grp_b)


def _candidates(scores2d, gmax, thr):
    mesh = plsc.VectorSubcoreMesh(core_axis_name="c", subcore_axis_name="s")
    f = functools.partial(
        pl.kernel,
        out_type=[
            jax.ShapeDtypeStruct((_QN, _CAP), jnp.float32),
            jax.ShapeDtypeStruct((_QN, _CAP), jnp.int32),
        ],
        mesh=mesh,
        compiler_params=pltpu.CompilerParams(needs_layout_passes=False),
        scratch_types=[
            pltpu.VMEM((_NG,), jnp.float32),
            pltpu.VMEM((_ROWS_PER_W,), jnp.float32),
            pltpu.VMEM((_NG + 16,), jnp.int32),
            pltpu.VMEM((_NG + 16,), jnp.int32),
            pltpu.VMEM((_CAPG, _GRP), jnp.float32),
            pltpu.VMEM((_CAPG, _GRP), jnp.float32),
            pltpu.VMEM((_SLACK + 16,), jnp.float32),
            pltpu.VMEM((_SLACK + 16,), jnp.int32),
            pltpu.SemaphoreType.DMA,
        ],
    )(_cand_body)
    return f(scores2d, gmax, thr)


_BQ3 = 512


def _select_body(cv_ref, ci_ref, ov_ref, oi_ref):
    vals0 = cv_ref[...]
    idx = ci_ref[...]
    olane = lax.broadcasted_iota(jnp.int32, (_BQ3, _TOPK), 1)

    def step(i, carry):
        vals, ov, oi = carry
        m = jnp.max(vals, axis=1, keepdims=True)
        eq = vals == m
        ii = jnp.min(jnp.where(eq, idx, jnp.int32(1 << 30)),
                     axis=1, keepdims=True)
        hit = idx == ii
        sel = olane == i
        ov = jnp.where(sel, m, ov)
        oi = jnp.where(sel, ii, oi)
        return jnp.where(hit, _NEGINF, vals), ov, oi

    _, ov, oi = lax.fori_loop(
        0, _TOPK, step,
        (vals0, jnp.zeros((_BQ3, _TOPK), jnp.float32),
         jnp.zeros((_BQ3, _TOPK), jnp.int32)))
    ov_ref[...] = ov
    oi_ref[...] = oi


def _select(cv, ci):
    return pl.pallas_call(
        _select_body,
        grid=(_QN // _BQ3,),
        in_specs=[
            pl.BlockSpec((_BQ3, _CAP), lambda i: (i, 0)),
            pl.BlockSpec((_BQ3, _CAP), lambda i: (i, 0)),
        ],
        out_specs=[
            pl.BlockSpec((_BQ3, _TOPK), lambda i: (i, 0)),
            pl.BlockSpec((_BQ3, _TOPK), lambda i: (i, 0)),
        ],
        out_shape=[
            jax.ShapeDtypeStruct((_QN, _TOPK), jnp.float32),
            jax.ShapeDtypeStruct((_QN, _TOPK), jnp.int32),
        ],
    )(cv, ci)


def kernel(queries, keys, k):
    kp = jnp.concatenate(
        [keys, jnp.zeros((_KNP - _KN, _D), jnp.float32)], axis=0)
    scores, gmax_t = _scores(queries, kp)
    thr = _thresholds(gmax_t)
    scores2d = scores.reshape(_QN * _NG, _GRP)
    cv, ci = _candidates(scores2d, gmax_t.T,
                         thr.reshape(_NWORKERS, _ROWS_PER_W))
    return tuple(_select(cv, ci))

# --- scband reference (transcript-rebuilt; emitter-appended) ---
"""Pipeline reference for scband-atnlpmodel-84078279786829 (READ-ONLY COPY).

The authoritative reference and input builder live on the scoring server;
editing this copy changes nothing except your own understanding.
"""

import jax, jax.numpy as jnp
import numpy as np

D = 128
QN = 4096
KN = 100000
TOPK = 64


def setup_inputs(seed: int = 0) -> dict:
    key = jax.random.key(seed)
    kq, kk = jax.random.split(key)
    queries = jax.random.normal(kq, (QN, D), dtype=jnp.float32)
    keys = jax.random.normal(kk, (KN, D), dtype=jnp.float32)
    return {"queries": queries, "keys": keys, "k": TOPK}


def reference(queries, keys, k):
    # ATNLP snapshot-database retrieval core: score every query snapshot against
    # the stored reference/database snapshots (dense similarity matmul), then
    # retrieve the top-k closest database entries per query.
    scale = np.float32(1.0 / np.sqrt(queries.shape[-1]))
    scores = jnp.dot(queries, keys.T) * scale  # [QN, KN] -- compute-dominant matmul
    topk_vals, topk_idx = jax.lax.top_k(scores, TOPK)
    topk_vals = topk_vals + jnp.zeros((), topk_vals.dtype) * k
    return (topk_vals, topk_idx)

if __name__ == "__main__":
    import jax
    _d = setup_inputs()
    print(jax.jit(kernel)(*tuple(_d.values())))

</pallas_src>

<mosaic_0001>
#map = affine_map<(d0, d1) -> (0, 0)>
module attributes {stable_mosaic.version = 14 : i64} {
  func.func @_cand_body(%arg0: i32, %arg1: i32, %arg2: memref<3276800x128xf32, #tpu.memory_space<hbm>>, %arg3: memref<4096x800xf32, #tpu.memory_space<hbm>>, %arg4: memref<32x128xf32, #tpu.memory_space<hbm>>, %arg5: memref<4096x256xf32, #tpu.memory_space<hbm>>, %arg6: memref<4096x256xi32, #tpu.memory_space<hbm>>, %arg7: memref<800xf32, #tpu.memory_space<vmem>>, %arg8: memref<128xf32, #tpu.memory_space<vmem>>, %arg9: memref<816xi32, #tpu.memory_space<vmem>>, %arg10: memref<816xi32, #tpu.memory_space<vmem>>, %arg11: memref<192x128xf32, #tpu.memory_space<vmem>>, %arg12: memref<192x128xf32, #tpu.memory_space<vmem>>, %arg13: memref<24848xf32, #tpu.memory_space<vmem>>, %arg14: memref<24848xi32, #tpu.memory_space<vmem>>, %arg15: memref<!tpu.dma_semaphore, #tpu.memory_space<semaphore_mem>>) attributes {dimension_semantics = [#tpu.dimension_semantics<core_parallel>, #tpu.dimension_semantics<subcore_parallel>], iteration_bounds = array<i64: 2, 16>, scalar_prefetch = 0 : i64, scratch_operands = 9 : i64, tpu.core_type = #tpu.core_type<sc_vector_subcore>, window_params = [{transform_indices = #map}, {transform_indices = #map}, {transform_indices = #map}, {transform_indices = #map}, {transform_indices = #map}]} {
    %mul3A = arith.constant 2 : i32
    %mul3A_0 = arith.muli %arg1, %mul3A : i32
    %add3A = arith.addi %mul3A_0, %arg0 : i32
    %iota3A = tpu.iota {dimensions = array<i32: 0>} : vector<16xi32>
    %broadcast_in_dim3A = arith.constant -1.000000e+30 : f32
    %broadcast_in_dim3A_1 = vector.broadcast %broadcast_in_dim3A : f32 to vector<16xf32>
    %broadcast_in_dim3A_2 = arith.constant 0 : i32
    %broadcast_in_dim3A_3 = vector.broadcast %broadcast_in_dim3A_2 : i32 to vector<16xi32>
    "tpu.region"() ({
      %run_scoped3A = tpu.sem_alloc : memref<!tpu.dma_semaphore, #tpu.memory_space<semaphore_mem>>
      %dma_start3A = arith.constant 0 : i32
      %dma_start3A_56 = tpu.memref_slice %arg4[%add3A, %dma_start3A] : memref<32x128xf32, #tpu.memory_space<hbm>> -> memref<1x128xf32, #tpu.memory_space<hbm>>
      %dma_start3A_57 = tpu.memref_squeeze %dma_start3A_56 : memref<1x128xf32, #tpu.memory_space<hbm>> -> memref<128xf32, #tpu.memory_space<hbm>>
      %dma_start3A_58 = arith.constant 0 : i32
      %dma_start3A_59 = tpu.memref_slice %arg4[%add3A, %dma_start3A_58] : memref<32x128xf32, #tpu.memory_space<hbm>> -> memref<1x128xf32, #tpu.memory_space<hbm>>
      %dma_start3A_60 = tpu.memref_squeeze %dma_start3A_59 : memref<1x128xf32, #tpu.memory_space<hbm>> -> memref<128xf32, #tpu.memory_space<hbm>>
      tpu.enqueue_dma source(%dma_start3A_60 : memref<128xf32, #tpu.memory_space<hbm>>) target(%arg8 : memref<128xf32, #tpu.memory_space<vmem>>) target_semaphore(%run_scoped3A : memref<!tpu.dma_semaphore, #tpu.memory_space<semaphore_mem>>)
      %dma_wait3A_61 = arith.constant 0 : i32
      %dma_wait3A_62 = tpu.memref_slice %arg4[%add3A, %dma_wait3A_61] : memref<32x128xf32, #tpu.memory_space<hbm>> -> memref<1x128xf32, #tpu.memory_space<hbm>>
      %dma_wait3A_63 = tpu.memref_squeeze %dma_wait3A_62 : memref<1x128xf32, #tpu.memory_space<hbm>> -> memref<128xf32, #tpu.memory_space<hbm>>
      %dma_wait3A_64 = arith.constant 0 : i32
      %dma_wait3A_65 = tpu.memref_slice %arg4[%add3A, %dma_wait3A_64] : memref<32x128xf32, #tpu.memory_space<hbm>> -> memref<1x128xf32, #tpu.memory_space<hbm>>
      %dma_wait3A_66 = tpu.memref_squeeze %dma_wait3A_65 : memref<1x128xf32, #tpu.memory_space<hbm>> -> memref<128xf32, #tpu.memory_space<hbm>>
      tpu.wait_dma2 semaphore(%run_scoped3A : memref<!tpu.dma_semaphore, #tpu.memory_space<semaphore_mem>>) src(%dma_wait3A_66 : memref<128xf32, #tpu.memory_space<hbm>>) dst(%arg8 : memref<128xf32, #tpu.memory_space<vmem>>)
      tpu.yield
    }) : () -> ()
    %scan3A = arith.constant 0 : i32
    %scan3A_4 = arith.constant 0 : i32
    %scan3A_5 = arith.constant 64 : i32
    %scan3A_6 = arith.addi %scan3A_4, %scan3A_5 : i32
    %scan3A_7 = arith.constant 1 : i32
    %scan3A_8 = scf.for %scan3A_56 = %scan3A_4 to %scan3A_6 step %scan3A_7 iter_args(%scan3A_57 = %scan3A) -> (i32)  : i32 {
      %mul3A_58 = arith.constant 2 : i32
      %mul3A_59 = arith.muli %mul3A_58, %scan3A_56 : i32
      %mul3A_60 = arith.constant 128 : i32
      %mul3A_61 = arith.muli %add3A, %mul3A_60 : i32
      %add3A_62 = arith.addi %mul3A_61, %mul3A_59 : i32
      %mul3A_63 = arith.constant 800 : i32
      %mul3A_64 = arith.muli %add3A_62, %mul3A_63 : i32
      "tpu.region"() ({
        %run_scoped3A = tpu.sem_alloc : memref<!tpu.dma_semaphore, #tpu.memory_space<semaphore_mem>>
        %dma_start3A_211 = arith.constant 0 : i32
        %dma_start3A_212 = tpu.memref_slice %arg3[%add3A_62, %dma_start3A_211] : memref<4096x800xf32, #tpu.memory_space<hbm>> -> memref<1x800xf32, #tpu.memory_space<hbm>>
        %dma_start3A_213 = tpu.memref_squeeze %dma_start3A_212 : memref<1x800xf32, #tpu.memory_space<hbm>> -> memref<800xf32, #tpu.memory_space<hbm>>
        %dma_start3A_214 = arith.constant 0 : i32
        %dma_start3A_215 = tpu.memref_slice %arg3[%add3A_62, %dma_start3A_214] : memref<4096x800xf32, #tpu.memory_space<hbm>> -> memref<1x800xf32, #tpu.memory_space<hbm>>
        %dma_start3A_216 = tpu.memref_squeeze %dma_start3A_215 : memref<1x800xf32, #tpu.memory_space<hbm>> -> memref<800xf32, #tpu.memory_space<hbm>>
        tpu.enqueue_dma source(%dma_start3A_216 : memref<800xf32, #tpu.memory_space<hbm>>) target(%arg7 : memref<800xf32, #tpu.memory_space<vmem>>) target_semaphore(%run_scoped3A : memref<!tpu.dma_semaphore, #tpu.memory_space<semaphore_mem>>)
        %dma_wait3A_217 = arith.constant 0 : i32
        %dma_wait3A_218 = tpu.memref_slice %arg3[%add3A_62, %dma_wait3A_217] : memref<4096x800xf32, #tpu.memory_space<hbm>> -> memref<1x800xf32, #tpu.memory_space<hbm>>
        %dma_wait3A_219 = tpu.memref_squeeze %dma_wait3A_218 : memref<1x800xf32, #tpu.memory_space<hbm>> -> memref<800xf32, #tpu.memory_space<hbm>>
        %dma_wait3A_220 = arith.constant 0 : i32
        %dma_wait3A_221 = tpu.memref_slice %arg3[%add3A_62, %dma_wait3A_220] : memref<4096x800xf32, #tpu.memory_space<hbm>> -> memref<1x800xf32, #tpu.memory_space<hbm>>
        %dma_wait3A_222 = tpu.memref_squeeze %dma_wait3A_221 : memref<1x800xf32, #tpu.memory_space<hbm>> -> memref<800xf32, #tpu.memory_space<hbm>>
        tpu.wait_dma2 semaphore(%run_scoped3A : memref<!tpu.dma_semaphore, #tpu.memory_space<semaphore_mem>>) src(%dma_wait3A_222 : memref<800xf32, #tpu.memory_space<hbm>>) dst(%arg7 : memref<800xf32, #tpu.memory_space<vmem>>)
        tpu.yield
      }) : () -> ()
      %broadcast_in_dim3A_65 = vector.broadcast %mul3A_59 : i32 to vector<16xi32>
      %gather3A_66 = tpu.vector_load_idx %arg8[%broadcast_in_dim3A_65] : memref<128xf32, #tpu.memory_space<vmem>>[vector<16xi32>], vector<16xf32>,
      %add3A_67 = arith.constant 800 : i32
      %add3A_68 = arith.addi %mul3A_64, %add3A_67 : i32
      %sub3A = arith.constant 1 : i32
      %sub3A_69 = arith.subi %add3A_68, %sub3A : i32
      %broadcast_in_dim3A_70 = vector.broadcast %sub3A_69 : i32 to vector<16xi32>
      %scan3A_71 = arith.constant 0 : i32
      %scan3A_72 = arith.constant 0 : i32
      %scan3A_73 = arith.constant 12 : i32
      %scan3A_74 = arith.addi %scan3A_72, %scan3A_73 : i32
      %scan3A_75 = arith.constant 1 : i32
      %scan3A_76 = scf.for %scan3A_211 = %scan3A_72 to %scan3A_74 step %scan3A_75 iter_args(%scan3A_212 = %scan3A_71) -> (i32)  : i32 {
        %mul3A_213 = arith.constant 16 : i32
        %mul3A_214 = arith.muli %scan3A_211, %mul3A_213 : i32
        %swap3A = arith.index_cast %mul3A_214 : i32 to index
        %swap3A_215 = tpu.vector_load %arg9[%swap3A] {strides = array<i32>} : memref<816xi32, #tpu.memory_space<vmem>>, vector<16xi32>,
        tpu.vector_store %arg9[%swap3A], %broadcast_in_dim3A_70 {strides = array<i32>} : memref<816xi32, #tpu.memory_space<vmem>>, vector<16xi32>,
        %scan3A_216 = arith.constant 0 : i32
        scf.yield %scan3A_216 : i32
      }
      %scan3A_77 = arith.constant 12 : i32
      %broadcast_in_dim3A_78 = arith.constant 0 : i32
      %broadcast_in_dim3A_79 = vector.broadcast %broadcast_in_dim3A_78 : i32 to vector<16xi32>
      %scan3A_80 = arith.constant 0 : i32
      %scan3A_81 = arith.constant 50 : i32
      %scan3A_82 = arith.addi %scan3A_80, %scan3A_81 : i32
      %scan3A_83 = arith.constant 1 : i32
      %scan3A_84 = scf.for %scan3A_211 = %scan3A_80 to %scan3A_82 step %scan3A_83 iter_args(%scan3A_212 = %broadcast_in_dim3A_79) -> (vector<16xi32>)  : i32 {
        %mul3A_213 = arith.constant 16 : i32
        %mul3A_214 = arith.muli %scan3A_211, %mul3A_213 : i32
        %get3A = arith.index_cast %mul3A_214 : i32 to index
        %get3A_215 = tpu.vector_load %arg7[%get3A] {strides = array<i32>} : memref<800xf32, #tpu.memory_space<vmem>>, vector<16xf32>,
        %ge3A = arith.cmpf oge, %get3A_215, %gather3A_66 : vector<16xf32>
        %convert_element_type3A_216 = arith.extui %ge3A : vector<16xi1> to vector<16xi32>
        %broadcast_in_dim3A_217 = arith.constant true
        %broadcast_in_dim3A_218 = vector.broadcast %broadcast_in_dim3A_217 : i1 to vector<16xi1>
        %masked_cumsum3A = tpu.scan <sum>, %convert_element_type3A_216 masked %broadcast_in_dim3A_218 : vector<16xi32>, vector<16xi1> -> vector<16xi32>
        %add3A_219 = arith.addi %scan3A_212, %masked_cumsum3A : vector<16xi32>
        %sub3A_220 = arith.constant 1 : i32
        %sub3A_221 = vector.broadcast %sub3A_220 : i32 to vector<16xi32>
        %sub3A_222 = arith.subi %add3A_219, %sub3A_221 : vector<16xi32>
        %jit3A = arith.constant 800 : i32
        %broadcast_in_dim3A_223 = vector.broadcast %jit3A : i32 to vector<16xi32>
        %select_n3A = arith.select %ge3A, %sub3A_222, %broadcast_in_dim3A_223 : vector<16xi1>, vector<16xi32>
        %mul3A_224 = arith.constant 16 : i32
        %mul3A_225 = arith.muli %scan3A_211, %mul3A_224 : i32
        %add3A_226 = arith.addi %mul3A_64, %mul3A_225 : i32
        %add3A_227 = vector.broadcast %add3A_226 : i32 to vector<16xi32>
        %add3A_228 = arith.addi %add3A_227, %iota3A : vector<16xi32>
        tpu.vector_store_idx %arg9[%select_n3A], %add3A_228 : memref<816xi32, #tpu.memory_space<vmem>>[vector<16xi32>], vector<16xi32>,
        %all_reduce_population_count3A = tpu.all_reduce %ge3A {dim = 0 : i64, kind = #tpu.reduction_kind<sum>} : vector<16xi1> -> vector<16xi32>
        %add3A_229 = arith.addi %scan3A_212, %all_reduce_population_count3A : vector<16xi32>
        scf.yield %add3A_229 : vector<16xi32>
      }
      %scan3A_85 = arith.constant 50 : i32
      %reduce_max3A = arith.constant true
      %reduce_max3A_86 = vector.broadcast %reduce_max3A : i1 to vector<16xi1>
      %reduce_max3A_87 = arith.constant -2147483648 : i32
      %reduce_max3A_88 = vector.broadcast %reduce_max3A_87 : i32 to vector<16xi32>
      %reduce_max3A_89 = arith.xori %scan3A_84, %reduce_max3A_88 : vector<16xi32>
      %reduce_max3A_90 = tpu.scan <max>, %reduce_max3A_89 masked %reduce_max3A_86 : vector<16xi32>, vector<16xi1> -> vector<16xi32>
      %reduce_max3A_91 = arith.xori %reduce_max3A_90, %reduce_max3A_88 : vector<16xi32>
      %reduce_max3A_92 = vector.extract %reduce_max3A_91[15] : i32 from vector<16xi32>
      %dma_start3A = arith.constant 0 : i32
      %dma_start3A_93 = arith.constant 0 : i32
      %dma_start3A_94 = tpu.memref_slice %arg11[%dma_start3A, %dma_start3A_93] : memref<192x128xf32, #tpu.memory_space<vmem>> -> memref<96x128xf32, #tpu.memory_space<vmem>>
      %dma_start3A_95 = arith.constant 0 : i32
      %dma_start3A_96 = tpu.memref_slice %arg9[%dma_start3A_95] : memref<816xi32, #tpu.memory_space<vmem>> -> memref<96xi32, #tpu.memory_space<vmem>>
      %dma_start3A_97 = arith.constant 0 : i32
      %dma_start3A_98 = arith.constant 0 : i32
      %dma_start3A_99 = tpu.memref_slice %arg2[%dma_start3A_97, %dma_start3A_98] : memref<3276800x128xf32, #tpu.memory_space<hbm>> -> memref<3276800x128xf32, #tpu.memory_space<hbm>>
      tpu.enqueue_indirect_dma source(%dma_start3A_99 : memref<3276800x128xf32, #tpu.memory_space<hbm>>) target(%dma_start3A_94 : memref<96x128xf32, #tpu.memory_space<vmem>>) offsets(%dma_start3A_96 : memref<96xi32, #tpu.memory_space<vmem>>) semaphore(%arg15 : memref<!tpu.dma_semaphore, #tpu.memory_space<semaphore_mem>>)
      %gt3A_100 = arith.constant 96 : i32
      %gt3A_101 = arith.cmpi sgt, %reduce_max3A_92, %gt3A_100 : i32
      %convert_element_type3A_102 = arith.extui %gt3A_101 : i1 to i32
      %cond3A_103 = arith.constant 0 : i32
      %cond3A_104 = arith.cmpi ne, %convert_element_type3A_102, %cond3A_103 : i32
      scf.if %cond3A_104 {
        %dma_start3A_211 = arith.constant 96 : i32
        %dma_start3A_212 = arith.constant 0 : i32
        %dma_start3A_213 = tpu.memref_slice %arg11[%dma_start3A_211, %dma_start3A_212] : memref<192x128xf32, #tpu.memory_space<vmem>> -> memref<96x128xf32, #tpu.memory_space<vmem>>
        %dma_start3A_214 = arith.constant 96 : i32
        %dma_start3A_215 = tpu.memref_slice %arg9[%dma_start3A_214] : memref<816xi32, #tpu.memory_space<vmem>> -> memref<96xi32, #tpu.memory_space<vmem>>
        %dma_start3A_216 = arith.constant 0 : i32
        %dma_start3A_217 = arith.constant 0 : i32
        %dma_start3A_218 = tpu.memref_slice %arg2[%dma_start3A_216, %dma_start3A_217] : memref<3276800x128xf32, #tpu.memory_space<hbm>> -> memref<3276800x128xf32, #tpu.memory_space<hbm>>
        tpu.enqueue_indirect_dma source(%dma_start3A_218 : memref<3276800x128xf32, #tpu.memory_space<hbm>>) target(%dma_start3A_213 : memref<96x128xf32, #tpu.memory_space<vmem>>) offsets(%dma_start3A_215 : memref<96xi32, #tpu.memory_space<vmem>>) semaphore(%arg15 : memref<!tpu.dma_semaphore, #tpu.memory_space<semaphore_mem>>)
      } else {
      }
      %gt3A_105 = arith.constant 0 : i32
      %gt3A_106 = arith.cmpi sgt, %scan3A_56, %gt3A_105 : i32
      %convert_element_type3A_107 = arith.extui %gt3A_106 : i1 to i32
      %cond3A_108 = arith.constant 0 : i32
      %cond3A_109 = arith.cmpi ne, %convert_element_type3A_107, %cond3A_108 : i32
      scf.if %cond3A_109 {
        %sub3A_211 = arith.constant 1 : i32
        %sub3A_212 = arith.subi %mul3A_59, %sub3A_211 : i32
        %mul3A_213 = arith.constant 128 : i32
        %mul3A_214 = arith.muli %add3A, %mul3A_213 : i32
        %add3A_215 = arith.addi %mul3A_214, %sub3A_212 : i32
        %mul3A_216 = arith.constant 800 : i32
        %mul3A_217 = arith.muli %add3A_215, %mul3A_216 : i32
        %broadcast_in_dim3A_218 = vector.broadcast %sub3A_212 : i32 to vector<16xi32>
        %gather3A_219 = tpu.vector_load_idx %arg8[%broadcast_in_dim3A_218] : memref<128xf32, #tpu.memory_space<vmem>>[vector<16xi32>], vector<16xf32>,
        %scan3A_220 = arith.constant 0 : i32
        %scan3A_221 = arith.constant 0 : i32
        %scan3A_222 = arith.constant 16 : i32
        %scan3A_223 = arith.addi %scan3A_221, %scan3A_222 : i32
        %scan3A_224 = arith.constant 1 : i32
        %scan3A_225 = scf.for %scan3A_264 = %scan3A_221 to %scan3A_223 step %scan3A_224 iter_args(%scan3A_265 = %scan3A_220) -> (i32)  : i32 {
          %mul3A_266 = arith.constant 16 : i32
          %mul3A_267 = arith.muli %scan3A_264, %mul3A_266 : i32
          %swap3A = arith.index_cast %mul3A_267 : i32 to index
          %swap3A_268 = tpu.vector_load %arg13[%swap3A] {strides = array<i32>} : memref<24848xf32, #tpu.memory_space<vmem>>, vector<16xf32>,
          tpu.vector_store %arg13[%swap3A], %broadcast_in_dim3A_1 {strides = array<i32>} : memref<24848xf32, #tpu.memory_space<vmem>>, vector<16xf32>,
          %mul3A_269 = arith.constant 16 : i32
          %mul3A_270 = arith.muli %scan3A_264, %mul3A_269 : i32
          %swap3A_271 = arith.index_cast %mul3A_270 : i32 to index
          %swap3A_272 = tpu.vector_load %arg14[%swap3A_271] {strides = array<i32>} : memref<24848xi32, #tpu.memory_space<vmem>>, vector<16xi32>,
          tpu.vector_store %arg14[%swap3A_271], %broadcast_in_dim3A_3 {strides = array<i32>} : memref<24848xi32, #tpu.memory_space<vmem>>, vector<16xi32>,
          %scan3A_273 = arith.constant 0 : i32
          scf.yield %scan3A_273 : i32
        }
        %scan3A_226 = arith.constant 16 : i32
        %dma_wait3A_227 = arith.constant 0 : i32
        %dma_wait3A_228 = arith.constant 0 : i32
        %dma_wait3A_229 = tpu.memref_slice %arg12[%dma_wait3A_227, %dma_wait3A_228] : memref<192x128xf32, #tpu.memory_space<vmem>> -> memref<96x128xf32, #tpu.memory_space<vmem>>
        %dma_wait3A_230 = arith.constant 0 : i32
        %dma_wait3A_231 = tpu.memref_slice %arg10[%dma_wait3A_230] : memref<816xi32, #tpu.memory_space<vmem>> -> memref<96xi32, #tpu.memory_space<vmem>>
        %dma_wait3A_232 = arith.constant 0 : i32
        %dma_wait3A_233 = arith.constant 0 : i32
        %dma_wait3A_234 = tpu.memref_slice %arg2[%dma_wait3A_232, %dma_wait3A_233] : memref<3276800x128xf32, #tpu.memory_space<hbm>> -> memref<3276800x128xf32, #tpu.memory_space<hbm>>
        tpu.wait_indirect_dma semaphore(%arg15 : memref<!tpu.dma_semaphore, #tpu.memory_space<semaphore_mem>>) src(%dma_wait3A_234 : memref<3276800x128xf32, #tpu.memory_space<hbm>>) dst(%dma_wait3A_229 : memref<96x128xf32, #tpu.memory_space<vmem>>)
        %gt3A_235 = arith.constant 96 : i32
        %gt3A_236 = arith.cmpi sgt, %scan3A_57, %gt3A_235 : i32
        %convert_element_type3A_237 = arith.extui %gt3A_236 : i1 to i32
        %cond3A_238 = arith.constant 0 : i32
        %cond3A_239 = arith.cmpi ne, %convert_element_type3A_237, %cond3A_238 : i32
        scf.if %cond3A_239 {
          %dma_wait3A_264 = arith.constant 96 : i32
          %dma_wait3A_265 = arith.constant 0 : i32
          %dma_wait3A_266 = tpu.memref_slice %arg12[%dma_wait3A_264, %dma_wait3A_265] : memref<192x128xf32, #tpu.memory_space<vmem>> -> memref<96x128xf32, #tpu.memory_space<vmem>>
          %dma_wait3A_267 = arith.constant 96 : i32
          %dma_wait3A_268 = tpu.memref_slice %arg10[%dma_wait3A_267] : memref<816xi32, #tpu.memory_space<vmem>> -> memref<96xi32, #tpu.memory_space<vmem>>
          %dma_wait3A_269 = arith.constant 0 : i32
          %dma_wait3A_270 = arith.constant 0 : i32
          %dma_wait3A_271 = tpu.memref_slice %arg2[%dma_wait3A_269, %dma_wait3A_270] : memref<3276800x128xf32, #tpu.memory_space<hbm>> -> memref<3276800x128xf32, #tpu.memory_space<hbm>>
          tpu.wait_indirect_dma semaphore(%arg15 : memref<!tpu.dma_semaphore, #tpu.memory_space<semaphore_mem>>) src(%dma_wait3A_271 : memref<3276800x128xf32, #tpu.memory_space<hbm>>) dst(%dma_wait3A_266 : memref<96x128xf32, #tpu.memory_space<vmem>>)
        } else {
        }
        %min3A_240 = arith.constant 192 : i32
        %min3A_241 = arith.minsi %scan3A_57, %min3A_240 : i32
        %mul3A_242 = arith.constant 8 : i32
        %mul3A_243 = arith.muli %min3A_241, %mul3A_242 : i32
        %broadcast_in_dim3A_244 = arith.constant 0 : i32
        %broadcast_in_dim3A_245 = vector.broadcast %broadcast_in_dim3A_244 : i32 to vector<16xi32>
        %while3A_246 = arith.constant 0 : i32
        %while3A_247 = arith.subi %mul3A_243, %while3A_246 : i32
        %while3A_248 = arith.addi %while3A_246, %while3A_247 : i32
        %while3A_249 = arith.constant 1 : i32
        %while3A_250 = arith.divsi %while3A_247, %while3A_249 : i32
        %while3A_251 = arith.muli %while3A_250, %while3A_249 : i32
        %while3A_252 = arith.addi %while3A_246, %while3A_251 : i32
        %while3A_253 = arith.constant 1 : i32
        %while3A_254 = scf.for %while3A_264 = %while3A_246 to %while3A_252 step %while3A_253 iter_args(%while3A_265 = %broadcast_in_dim3A_245) -> (vector<16xi32>)  : i32 {
          %shift_right_logical3A = arith.constant 3 : i32
          %shift_right_logical3A_266 = arith.shrui %while3A_264, %shift_right_logical3A : i32
          %and3A = arith.constant 7 : i32
          %and3A_267 = arith.andi %while3A_264, %and3A : i32
          %mul3A_268 = arith.constant 16 : i32
          %mul3A_269 = arith.muli %and3A_267, %mul3A_268 : i32
          %get3A = arith.index_cast %shift_right_logical3A_266 : i32 to index
          %get3A_270 = arith.index_cast %mul3A_269 : i32 to index
          %get3A_271 = tpu.vector_load %arg12[%get3A, %get3A_270] {strides = array<i32>} : memref<192x128xf32, #tpu.memory_space<vmem>>, vector<16xf32>,
          %ge3A = arith.cmpf oge, %get3A_271, %gather3A_219 : vector<16xf32>
          %convert_element_type3A_272 = arith.extui %ge3A : vector<16xi1> to vector<16xi32>
          %broadcast_in_dim3A_273 = arith.constant true
          %broadcast_in_dim3A_274 = vector.broadcast %broadcast_in_dim3A_273 : i1 to vector<16xi1>
          %masked_cumsum3A = tpu.scan <sum>, %convert_element_type3A_272 masked %broadcast_in_dim3A_274 : vector<16xi32>, vector<16xi1> -> vector<16xi32>
          %add3A_275 = arith.addi %while3A_265, %masked_cumsum3A : vector<16xi32>
          %sub3A_276 = arith.constant 1 : i32
          %sub3A_277 = vector.broadcast %sub3A_276 : i32 to vector<16xi32>
          %sub3A_278 = arith.subi %add3A_275, %sub3A_277 : vector<16xi32>
          %jit3A = arith.constant 24832 : i32
          %broadcast_in_dim3A_279 = vector.broadcast %jit3A : i32 to vector<16xi32>
          %select_n3A = arith.select %ge3A, %sub3A_278, %broadcast_in_dim3A_279 : vector<16xi1>, vector<16xi32>
          tpu.vector_store_idx %arg13[%select_n3A], %get3A_271 : memref<24848xf32, #tpu.memory_space<vmem>>[vector<16xi32>], vector<16xf32>,
          %mul3A_280 = arith.constant 16 : i32
          %mul3A_281 = arith.muli %while3A_264, %mul3A_280 : i32
          %add3A_282 = vector.broadcast %mul3A_281 : i32 to vector<16xi32>
          %add3A_283 = arith.addi %add3A_282, %iota3A : vector<16xi32>
          tpu.vector_store_idx %arg14[%select_n3A], %add3A_283 : memref<24848xi32, #tpu.memory_space<vmem>>[vector<16xi32>], vector<16xi32>,
          %all_reduce_population_count3A = tpu.all_reduce %ge3A {dim = 0 : i64, kind = #tpu.reduction_kind<sum>} : vector<16xi1> -> vector<16xi32>
          %add3A_284 = arith.addi %while3A_265, %all_reduce_population_count3A : vector<16xi32>
          scf.yield %add3A_284 : vector<16xi32>
        }
        %while3A_255 = arith.constant 1 : i32
        %while3A_256 = scf.for %while3A_264 = %while3A_252 to %while3A_248 step %while3A_255 iter_args(%while3A_265 = %while3A_254) -> (vector<16xi32>)  : i32 {
          %shift_right_logical3A = arith.constant 3 : i32
          %shift_right_logical3A_266 = arith.shrui %while3A_264, %shift_right_logical3A : i32
          %and3A = arith.constant 7 : i32
          %and3A_267 = arith.andi %while3A_264, %and3A : i32
          %mul3A_268 = arith.constant 16 : i32
          %mul3A_269 = arith.muli %and3A_267, %mul3A_268 : i32
          %get3A = arith.index_cast %shift_right_logical3A_266 : i32 to index
          %get3A_270 = arith.index_cast %mul3A_269 : i32 to index
          %get3A_271 = tpu.vector_load %arg12[%get3A, %get3A_270] {strides = array<i32>} : memref<192x128xf32, #tpu.memory_space<vmem>>, vector<16xf32>,
          %ge3A = arith.cmpf oge, %get3A_271, %gather3A_219 : vector<16xf32>
          %convert_element_type3A_272 = arith.extui %ge3A : vector<16xi1> to vector<16xi32>
          %broadcast_in_dim3A_273 = arith.constant true
          %broadcast_in_dim3A_274 = vector.broadcast %broadcast_in_dim3A_273 : i1 to vector<16xi1>
          %masked_cumsum3A = tpu.scan <sum>, %convert_element_type3A_272 masked %broadcast_in_dim3A_274 : vector<16xi32>, vector<16xi1> -> vector<16xi32>
          %add3A_275 = arith.addi %while3A_265, %masked_cumsum3A : vector<16xi32>
          %sub3A_276 = arith.constant 1 : i32
          %sub3A_277 = vector.broadcast %sub3A_276 : i32 to vector<16xi32>
          %sub3A_278 = arith.subi %add3A_275, %sub3A_277 : vector<16xi32>
          %jit3A = arith.constant 24832 : i32
          %broadcast_in_dim3A_279 = vector.broadcast %jit3A : i32 to vector<16xi32>
          %select_n3A = arith.select %ge3A, %sub3A_278, %broadcast_in_dim3A_279 : vector<16xi1>, vector<16xi32>
          tpu.vector_store_idx %arg13[%select_n3A], %get3A_271 : memref<24848xf32, #tpu.memory_space<vmem>>[vector<16xi32>], vector<16xf32>,
          %mul3A_280 = arith.constant 16 : i32
          %mul3A_281 = arith.muli %while3A_264, %mul3A_280 : i32
          %add3A_282 = vector.broadcast %mul3A_281 : i32 to vector<16xi32>
          %add3A_283 = arith.addi %add3A_282, %iota3A : vector<16xi32>
          tpu.vector_store_idx %arg14[%select_n3A], %add3A_283 : memref<24848xi32, #tpu.memory_space<vmem>>[vector<16xi32>], vector<16xi32>,
          %all_reduce_population_count3A = tpu.all_reduce %ge3A {dim = 0 : i64, kind = #tpu.reduction_kind<sum>} : vector<16xi1> -> vector<16xi32>
          %add3A_284 = arith.addi %while3A_265, %all_reduce_population_count3A : vector<16xi32>
          scf.yield %add3A_284 : vector<16xi32>
        }
        %scan3A_257 = arith.constant 0 : i32
        %scan3A_258 = arith.constant 0 : i32
        %scan3A_259 = arith.constant 16 : i32
        %scan3A_260 = arith.addi %scan3A_258, %scan3A_259 : i32
        %scan3A_261 = arith.constant 1 : i32
        %scan3A_262 = scf.for %scan3A_264 = %scan3A_258 to %scan3A_260 step %scan3A_261 iter_args(%scan3A_265 = %scan3A_257) -> (i32)  : i32 {
          %mul3A_266 = arith.constant 16 : i32
          %mul3A_267 = arith.muli %scan3A_264, %mul3A_266 : i32
          %get3A = arith.index_cast %mul3A_267 : i32 to index
          %get3A_268 = tpu.vector_load %arg14[%get3A] {strides = array<i32>} : memref<24848xi32, #tpu.memory_space<vmem>>, vector<16xi32>,
          %shift_right_logical3A = arith.constant 7 : i32
          %shift_right_logical3A_269 = vector.broadcast %shift_right_logical3A : i32 to vector<16xi32>
          %shift_right_logical3A_270 = arith.shrui %get3A_268, %shift_right_logical3A_269 : vector<16xi32>
          %gather3A_271 = tpu.vector_load_idx %arg10[%shift_right_logical3A_270] : memref<816xi32, #tpu.memory_space<vmem>>[vector<16xi32>], vector<16xi32>,
          %sub3A_272 = vector.broadcast %mul3A_217 : i32 to vector<16xi32>
          %sub3A_273 = arith.subi %gather3A_271, %sub3A_272 : vector<16xi32>
          %mul3A_274 = arith.constant 128 : i32
          %mul3A_275 = vector.broadcast %mul3A_274 : i32 to vector<16xi32>
          %mul3A_276 = arith.muli %sub3A_273, %mul3A_275 : vector<16xi32>
          %and3A = arith.constant 127 : i32
          %and3A_277 = vector.broadcast %and3A : i32 to vector<16xi32>
          %and3A_278 = arith.andi %get3A_268, %and3A_277 : vector<16xi32>
          %add3A_279 = arith.addi %mul3A_276, %and3A_278 : vector<16xi32>
          %mul3A_280 = arith.constant 16 : i32
          %mul3A_281 = arith.muli %scan3A_264, %mul3A_280 : i32
          %swap3A = arith.index_cast %mul3A_281 : i32 to index
          %swap3A_282 = tpu.vector_load %arg14[%swap3A] {strides = array<i32>} : memref<24848xi32, #tpu.memory_space<vmem>>, vector<16xi32>,
          tpu.vector_store %arg14[%swap3A], %add3A_279 {strides = array<i32>} : memref<24848xi32, #tpu.memory_space<vmem>>, vector<16xi32>,
          %scan3A_283 = arith.constant 0 : i32
          scf.yield %scan3A_283 : i32
        }
        %scan3A_263 = arith.constant 16 : i32
        "tpu.region"() ({
          %run_scoped3A = tpu.sem_alloc : memref<!tpu.dma_semaphore, #tpu.memory_space<semaphore_mem>>
          %dma_start3A_264 = arith.constant 0 : i32
          %dma_start3A_265 = tpu.memref_slice %arg13[%dma_start3A_264] : memref<24848xf32, #tpu.memory_space<vmem>> -> memref<256xf32, #tpu.memory_space<vmem>>
          %dma_start3A_266 = arith.constant 0 : i32
          %dma_start3A_267 = tpu.memref_slice %arg5[%add3A_215, %dma_start3A_266] : memref<4096x256xf32, #tpu.memory_space<hbm>> -> memref<1x256xf32, #tpu.memory_space<hbm>>
          %dma_start3A_268 = tpu.memref_squeeze %dma_start3A_267 : memref<1x256xf32, #tpu.memory_space<hbm>> -> memref<256xf32, #tpu.memory_space<hbm>>
          %dma_start3A_269 = arith.constant 0 : i32
          %dma_start3A_270 = tpu.memref_slice %arg5[%add3A_215, %dma_start3A_269] : memref<4096x256xf32, #tpu.memory_space<hbm>> -> memref<1x256xf32, #tpu.memory_space<hbm>>
          %dma_start3A_271 = tpu.memref_squeeze %dma_start3A_270 : memref<1x256xf32, #tpu.memory_space<hbm>> -> memref<256xf32, #tpu.memory_space<hbm>>
          %dma_start3A_272 = arith.constant 0 : i32
          %dma_start3A_273 = tpu.memref_slice %arg13[%dma_start3A_272] : memref<24848xf32, #tpu.memory_space<vmem>> -> memref<256xf32, #tpu.memory_space<vmem>>
          tpu.enqueue_dma source(%dma_start3A_273 : memref<256xf32, #tpu.memory_space<vmem>>) target(%dma_start3A_271 : memref<256xf32, #tpu.memory_space<hbm>>) target_semaphore(%run_scoped3A : memref<!tpu.dma_semaphore, #tpu.memory_space<semaphore_mem>>)
          %dma_wait3A_274 = arith.constant 0 : i32
          %dma_wait3A_275 = tpu.memref_slice %arg13[%dma_wait3A_274] : memref<24848xf32, #tpu.memory_space<vmem>> -> memref<256xf32, #tpu.memory_space<vmem>>
          %dma_wait3A_276 = arith.constant 0 : i32
          %dma_wait3A_277 = tpu.memref_slice %arg5[%add3A_215, %dma_wait3A_276] : memref<4096x256xf32, #tpu.memory_space<hbm>> -> memref<1x256xf32, #tpu.memory_space<hbm>>
          %dma_wait3A_278 = tpu.memref_squeeze %dma_wait3A_277 : memref<1x256xf32, #tpu.memory_space<hbm>> -> memref<256xf32, #tpu.memory_space<hbm>>
          %dma_wait3A_279 = arith.constant 0 : i32
          %dma_wait3A_280 = tpu.memref_slice %arg5[%add3A_215, %dma_wait3A_279] : memref<4096x256xf32, #tpu.memory_space<hbm>> -> memref<1x256xf32, #tpu.memory_space<hbm>>
          %dma_wait3A_281 = tpu.memref_squeeze %dma_wait3A_280 : memref<1x256xf32, #tpu.memory_space<hbm>> -> memref<256xf32, #tpu.memory_space<hbm>>
          %dma_wait3A_282 = arith.constant 0 : i32
          %dma_wait3A_283 = tpu.memref_slice %arg13[%dma_wait3A_282] : memref<24848xf32, #tpu.memory_space<vmem>> -> memref<256xf32, #tpu.memory_space<vmem>>
          tpu.wait_dma2 semaphore(%run_scoped3A : memref<!tpu.dma_semaphore, #tpu.memory_space<semaphore_mem>>) src(%dma_wait3A_283 : memref<256xf32, #tpu.memory_space<vmem>>) dst(%dma_wait3A_281 : memref<256xf32, #tpu.memory_space<hbm>>)
          tpu.yield
        }) : () -> ()
        "tpu.region"() ({
          %run_scoped3A = tpu.sem_alloc : memref<!tpu.dma_semaphore, #tpu.memory_space<semaphore_mem>>
          %dma_start3A_264 = arith.constant 0 : i32
          %dma_start3A_265 = tpu.memref_slice %arg14[%dma_start3A_264] : memref<24848xi32, #tpu.memory_space<vmem>> -> memref<256xi32, #tpu.memory_space<vmem>>
          %dma_start3A_266 = arith.constant 0 : i32
          %dma_start3A_267 = tpu.memref_slice %arg6[%add3A_215, %dma_start3A_266] : memref<4096x256xi32, #tpu.memory_space<hbm>> -> memref<1x256xi32, #tpu.memory_space<hbm>>
          %dma_start3A_268 = tpu.memref_squeeze %dma_start3A_267 : memref<1x256xi32, #tpu.memory_space<hbm>> -> memref<256xi32, #tpu.memory_space<hbm>>
          %dma_start3A_269 = arith.constant 0 : i32
          %dma_start3A_270 = tpu.memref_slice %arg6[%add3A_215, %dma_start3A_269] : memref<4096x256xi32, #tpu.memory_space<hbm>> -> memref<1x256xi32, #tpu.memory_space<hbm>>
          %dma_start3A_271 = tpu.memref_squeeze %dma_start3A_270 : memref<1x256xi32, #tpu.memory_space<hbm>> -> memref<256xi32, #tpu.memory_space<hbm>>
          %dma_start3A_272 = arith.constant 0 : i32
          %dma_start3A_273 = tpu.memref_slice %arg14[%dma_start3A_272] : memref<24848xi32, #tpu.memory_space<vmem>> -> memref<256xi32, #tpu.memory_space<vmem>>
          tpu.enqueue_dma source(%dma_start3A_273 : memref<256xi32, #tpu.memory_space<vmem>>) target(%dma_start3A_271 : memref<256xi32, #tpu.memory_space<hbm>>) target_semaphore(%run_scoped3A : memref<!tpu.dma_semaphore, #tpu.memory_space<semaphore_mem>>)
          %dma_wait3A_274 = arith.constant 0 : i32
          %dma_wait3A_275 = tpu.memref_slice %arg14[%dma_wait3A_274] : memref<24848xi32, #tpu.memory_space<vmem>> -> memref<256xi32, #tpu.memory_space<vmem>>
          %dma_wait3A_276 = arith.constant 0 : i32
          %dma_wait3A_277 = tpu.memref_slice %arg6[%add3A_215, %dma_wait3A_276] : memref<4096x256xi32, #tpu.memory_space<hbm>> -> memref<1x256xi32, #tpu.memory_space<hbm>>
          %dma_wait3A_278 = tpu.memref_squeeze %dma_wait3A_277 : memref<1x256xi32, #tpu.memory_space<hbm>> -> memref<256xi32, #tpu.memory_space<hbm>>
          %dma_wait3A_279 = arith.constant 0 : i32
          %dma_wait3A_280 = tpu.memref_slice %arg6[%add3A_215, %dma_wait3A_279] : memref<4096x256xi32, #tpu.memory_space<hbm>> -> memref<1x256xi32, #tpu.memory_space<hbm>>
          %dma_wait3A_281 = tpu.memref_squeeze %dma_wait3A_280 : memref<1x256xi32, #tpu.memory_space<hbm>> -> memref<256xi32, #tpu.memory_space<hbm>>
          %dma_wait3A_282 = arith.constant 0 : i32
          %dma_wait3A_283 = tpu.memref_slice %arg14[%dma_wait3A_282] : memref<24848xi32, #tpu.memory_space<vmem>> -> memref<256xi32, #tpu.memory_space<vmem>>
          tpu.wait_dma2 semaphore(%run_scoped3A : memref<!tpu.dma_semaphore, #tpu.memory_space<semaphore_mem>>) src(%dma_wait3A_283 : memref<256xi32, #tpu.memory_space<vmem>>) dst(%dma_wait3A_281 : memref<256xi32, #tpu.memory_space<hbm>>)
          tpu.yield
        }) : () -> ()
      } else {
      }
      %add3A_110 = arith.constant 1 : i32
      %add3A_111 = arith.addi %mul3A_59, %add3A_110 : i32
      %mul3A_112 = arith.constant 128 : i32
      %mul3A_113 = arith.muli %add3A, %mul3A_112 : i32
      %add3A_114 = arith.addi %mul3A_113, %add3A_111 : i32
      %mul3A_115 = arith.constant 800 : i32
      %mul3A_116 = arith.muli %add3A_114, %mul3A_115 : i32
      "tpu.region"() ({
        %run_scoped3A = tpu.sem_alloc : memref<!tpu.dma_semaphore, #tpu.memory_space<semaphore_mem>>
        %dma_start3A_211 = arith.constant 0 : i32
        %dma_start3A_212 = tpu.memref_slice %arg3[%add3A_114, %dma_start3A_211] : memref<4096x800xf32, #tpu.memory_space<hbm>> -> memref<1x800xf32, #tpu.memory_space<hbm>>
        %dma_start3A_213 = tpu.memref_squeeze %dma_start3A_212 : memref<1x800xf32, #tpu.memory_space<hbm>> -> memref<800xf32, #tpu.memory_space<hbm>>
        %dma_start3A_214 = arith.constant 0 : i32
        %dma_start3A_215 = tpu.memref_slice %arg3[%add3A_114, %dma_start3A_214] : memref<4096x800xf32, #tpu.memory_space<hbm>> -> memref<1x800xf32, #tpu.memory_space<hbm>>
        %dma_start3A_216 = tpu.memref_squeeze %dma_start3A_215 : memref<1x800xf32, #tpu.memory_space<hbm>> -> memref<800xf32, #tpu.memory_space<hbm>>
        tpu.enqueue_dma source(%dma_start3A_216 : memref<800xf32, #tpu.memory_space<hbm>>) target(%arg7 : memref<800xf32, #tpu.memory_space<vmem>>) target_semaphore(%run_scoped3A : memref<!tpu.dma_semaphore, #tpu.memory_space<semaphore_mem>>)
        %dma_wait3A_217 = arith.constant 0 : i32
        %dma_wait3A_218 = tpu.memref_slice %arg3[%add3A_114, %dma_wait3A_217] : memref<4096x800xf32, #tpu.memory_space<hbm>> -> memref<1x800xf32, #tpu.memory_space<hbm>>
        %dma_wait3A_219 = tpu.memref_squeeze %dma_wait3A_218 : memref<1x800xf32, #tpu.memory_space<hbm>> -> memref<800xf32, #tpu.memory_space<hbm>>
        %dma_wait3A_220 = arith.constant 0 : i32
        %dma_wait3A_221 = tpu.memref_slice %arg3[%add3A_114, %dma_wait3A_220] : memref<4096x800xf32, #tpu.memory_space<hbm>> -> memref<1x800xf32, #tpu.memory_space<hbm>>
        %dma_wait3A_222 = tpu.memref_squeeze %dma_wait3A_221 : memref<1x800xf32, #tpu.memory_space<hbm>> -> memref<800xf32, #tpu.memory_space<hbm>>
        tpu.wait_dma2 semaphore(%run_scoped3A : memref<!tpu.dma_semaphore, #tpu.memory_space<semaphore_mem>>) src(%dma_wait3A_222 : memref<800xf32, #tpu.memory_space<hbm>>) dst(%arg7 : memref<800xf32, #tpu.memory_space<vmem>>)
        tpu.yield
      }) : () -> ()
      %broadcast_in_dim3A_117 = vector.broadcast %add3A_111 : i32 to vector<16xi32>
      %gather3A_118 = tpu.vector_load_idx %arg8[%broadcast_in_dim3A_117] : memref<128xf32, #tpu.memory_space<vmem>>[vector<16xi32>], vector<16xf32>,
      %add3A_119 = arith.constant 800 : i32
      %add3A_120 = arith.addi %mul3A_116, %add3A_119 : i32
      %sub3A_121 = arith.constant 1 : i32
      %sub3A_122 = arith.subi %add3A_120, %sub3A_121 : i32
      %broadcast_in_dim3A_123 = vector.broadcast %sub3A_122 : i32 to vector<16xi32>
      %scan3A_124 = arith.constant 0 : i32
      %scan3A_125 = arith.constant 0 : i32
      %scan3A_126 = arith.constant 12 : i32
      %scan3A_127 = arith.addi %scan3A_125, %scan3A_126 : i32
      %scan3A_128 = arith.constant 1 : i32
      %scan3A_129 = scf.for %scan3A_211 = %scan3A_125 to %scan3A_127 step %scan3A_128 iter_args(%scan3A_212 = %scan3A_124) -> (i32)  : i32 {
        %mul3A_213 = arith.constant 16 : i32
        %mul3A_214 = arith.muli %scan3A_211, %mul3A_213 : i32
        %swap3A = arith.index_cast %mul3A_214 : i32 to index
        %swap3A_215 = tpu.vector_load %arg10[%swap3A] {strides = array<i32>} : memref<816xi32, #tpu.memory_space<vmem>>, vector<16xi32>,
        tpu.vector_store %arg10[%swap3A], %broadcast_in_dim3A_123 {strides = array<i32>} : memref<816xi32, #tpu.memory_space<vmem>>, vector<16xi32>,
        %scan3A_216 = arith.constant 0 : i32
        scf.yield %scan3A_216 : i32
      }
      %scan3A_130 = arith.constant 12 : i32
      %broadcast_in_dim3A_131 = arith.constant 0 : i32
      %broadcast_in_dim3A_132 = vector.broadcast %broadcast_in_dim3A_131 : i32 to vector<16xi32>
      %scan3A_133 = arith.constant 0 : i32
      %scan3A_134 = arith.constant 50 : i32
      %scan3A_135 = arith.addi %scan3A_133, %scan3A_134 : i32
      %scan3A_136 = arith.constant 1 : i32
      %scan3A_137 = scf.for %scan3A_211 = %scan3A_133 to %scan3A_135 step %scan3A_136 iter_args(%scan3A_212 = %broadcast_in_dim3A_132) -> (vector<16xi32>)  : i32 {
        %mul3A_213 = arith.constant 16 : i32
        %mul3A_214 = arith.muli %scan3A_211, %mul3A_213 : i32
        %get3A = arith.index_cast %mul3A_214 : i32 to index
        %get3A_215 = tpu.vector_load %arg7[%get3A] {strides = array<i32>} : memref<800xf32, #tpu.memory_space<vmem>>, vector<16xf32>,
        %ge3A = arith.cmpf oge, %get3A_215, %gather3A_118 : vector<16xf32>
        %convert_element_type3A_216 = arith.extui %ge3A : vector<16xi1> to vector<16xi32>
        %broadcast_in_dim3A_217 = arith.constant true
        %broadcast_in_dim3A_218 = vector.broadcast %broadcast_in_dim3A_217 : i1 to vector<16xi1>
        %masked_cumsum3A = tpu.scan <sum>, %convert_element_type3A_216 masked %broadcast_in_dim3A_218 : vector<16xi32>, vector<16xi1> -> vector<16xi32>
        %add3A_219 = arith.addi %scan3A_212, %masked_cumsum3A : vector<16xi32>
        %sub3A_220 = arith.constant 1 : i32
        %sub3A_221 = vector.broadcast %sub3A_220 : i32 to vector<16xi32>
        %sub3A_222 = arith.subi %add3A_219, %sub3A_221 : vector<16xi32>
        %jit3A = arith.constant 800 : i32
        %broadcast_in_dim3A_223 = vector.broadcast %jit3A : i32 to vector<16xi32>
        %select_n3A = arith.select %ge3A, %sub3A_222, %broadcast_in_dim3A_223 : vector<16xi1>, vector<16xi32>
        %mul3A_224 = arith.constant 16 : i32
        %mul3A_225 = arith.muli %scan3A_211, %mul3A_224 : i32
        %add3A_226 = arith.addi %mul3A_116, %mul3A_225 : i32
        %add3A_227 = vector.broadcast %add3A_226 : i32 to vector<16xi32>
        %add3A_228 = arith.addi %add3A_227, %iota3A : vector<16xi32>
        tpu.vector_store_idx %arg10[%select_n3A], %add3A_228 : memref<816xi32, #tpu.memory_space<vmem>>[vector<16xi32>], vector<16xi32>,
        %all_reduce_population_count3A = tpu.all_reduce %ge3A {dim = 0 : i64, kind = #tpu.reduction_kind<sum>} : vector<16xi1> -> vector<16xi32>
        %add3A_229 = arith.addi %scan3A_212, %all_reduce_population_count3A : vector<16xi32>
        scf.yield %add3A_229 : vector<16xi32>
      }
      %scan3A_138 = arith.constant 50 : i32
      %reduce_max3A_139 = arith.constant true
      %reduce_max3A_140 = vector.broadcast %reduce_max3A_139 : i1 to vector<16xi1>
      %reduce_max3A_141 = arith.constant -2147483648 : i32
      %reduce_max3A_142 = vector.broadcast %reduce_max3A_141 : i32 to vector<16xi32>
      %reduce_max3A_143 = arith.xori %scan3A_137, %reduce_max3A_142 : vector<16xi32>
      %reduce_max3A_144 = tpu.scan <max>, %reduce_max3A_143 masked %reduce_max3A_140 : vector<16xi32>, vector<16xi1> -> vector<16xi32>
      %reduce_max3A_145 = arith.xori %reduce_max3A_144, %reduce_max3A_142 : vector<16xi32>
      %reduce_max3A_146 = vector.extract %reduce_max3A_145[15] : i32 from vector<16xi32>
      %dma_start3A_147 = arith.constant 0 : i32
      %dma_start3A_148 = arith.constant 0 : i32
      %dma_start3A_149 = tpu.memref_slice %arg12[%dma_start3A_147, %dma_start3A_148] : memref<192x128xf32, #tpu.memory_space<vmem>> -> memref<96x128xf32, #tpu.memory_space<vmem>>
      %dma_start3A_150 = arith.constant 0 : i32
      %dma_start3A_151 = tpu.memref_slice %arg10[%dma_start3A_150] : memref<816xi32, #tpu.memory_space<vmem>> -> memref<96xi32, #tpu.memory_space<vmem>>
      %dma_start3A_152 = arith.constant 0 : i32
      %dma_start3A_153 = arith.constant 0 : i32
      %dma_start3A_154 = tpu.memref_slice %arg2[%dma_start3A_152, %dma_start3A_153] : memref<3276800x128xf32, #tpu.memory_space<hbm>> -> memref<3276800x128xf32, #tpu.memory_space<hbm>>
      tpu.enqueue_indirect_dma source(%dma_start3A_154 : memref<3276800x128xf32, #tpu.memory_space<hbm>>) target(%dma_start3A_149 : memref<96x128xf32, #tpu.memory_space<vmem>>) offsets(%dma_start3A_151 : memref<96xi32, #tpu.memory_space<vmem>>) semaphore(%arg15 : memref<!tpu.dma_semaphore, #tpu.memory_space<semaphore_mem>>)
      %gt3A_155 = arith.constant 96 : i32
      %gt3A_156 = arith.cmpi sgt, %reduce_max3A_146, %gt3A_155 : i32
      %convert_element_type3A_157 = arith.extui %gt3A_156 : i1 to i32
      %cond3A_158 = arith.constant 0 : i32
      %cond3A_159 = arith.cmpi ne, %convert_element_type3A_157, %cond3A_158 : i32
      scf.if %cond3A_159 {
        %dma_start3A_211 = arith.constant 96 : i32
        %dma_start3A_212 = arith.constant 0 : i32
        %dma_start3A_213 = tpu.memref_slice %arg12[%dma_start3A_211, %dma_start3A_212] : memref<192x128xf32, #tpu.memory_space<vmem>> -> memref<96x128xf32, #tpu.memory_space<vmem>>
        %dma_start3A_214 = arith.constant 96 : i32
        %dma_start3A_215 = tpu.memref_slice %arg10[%dma_start3A_214] : memref<816xi32, #tpu.memory_space<vmem>> -> memref<96xi32, #tpu.memory_space<vmem>>
        %dma_start3A_216 = arith.constant 0 : i32
        %dma_start3A_217 = arith.constant 0 : i32
        %dma_start3A_218 = tpu.memref_slice %arg2[%dma_start3A_216, %dma_start3A_217] : memref<3276800x128xf32, #tpu.memory_space<hbm>> -> memref<3276800x128xf32, #tpu.memory_space<hbm>>
        tpu.enqueue_indirect_dma source(%dma_start3A_218 : memref<3276800x128xf32, #tpu.memory_space<hbm>>) target(%dma_start3A_213 : memref<96x128xf32, #tpu.memory_space<vmem>>) offsets(%dma_start3A_215 : memref<96xi32, #tpu.memory_space<vmem>>) semaphore(%arg15 : memref<!tpu.dma_semaphore, #tpu.memory_space<semaphore_mem>>)
      } else {
      }
      %mul3A_160 = arith.constant 128 : i32
      %mul3A_161 = arith.muli %add3A, %mul3A_160 : i32
      %add3A_162 = arith.addi %mul3A_161, %mul3A_59 : i32
      %mul3A_163 = arith.constant 800 : i32
      %mul3A_164 = arith.muli %add3A_162, %mul3A_163 : i32
      %broadcast_in_dim3A_165 = vector.broadcast %mul3A_59 : i32 to vector<16xi32>
      %gather3A_166 = tpu.vector_load_idx %arg8[%broadcast_in_dim3A_165] : memref<128xf32, #tpu.memory_space<vmem>>[vector<16xi32>], vector<16xf32>,
      %scan3A_167 = arith.constant 0 : i32
      %scan3A_168 = arith.constant 0 : i32
      %scan3A_169 = arith.constant 16 : i32
      %scan3A_170 = arith.addi %scan3A_168, %scan3A_169 : i32
      %scan3A_171 = arith.constant 1 : i32
      %scan3A_172 = scf.for %scan3A_211 = %scan3A_168 to %scan3A_170 step %scan3A_171 iter_args(%scan3A_212 = %scan3A_167) -> (i32)  : i32 {
        %mul3A_213 = arith.constant 16 : i32
        %mul3A_214 = arith.muli %scan3A_211, %mul3A_213 : i32
        %swap3A = arith.index_cast %mul3A_214 : i32 to index
        %swap3A_215 = tpu.vector_load %arg13[%swap3A] {strides = array<i32>} : memref<24848xf32, #tpu.memory_space<vmem>>, vector<16xf32>,
        tpu.vector_store %arg13[%swap3A], %broadcast_in_dim3A_1 {strides = array<i32>} : memref<24848xf32, #tpu.memory_space<vmem>>, vector<16xf32>,
        %mul3A_216 = arith.constant 16 : i32
        %mul3A_217 = arith.muli %scan3A_211, %mul3A_216 : i32
        %swap3A_218 = arith.index_cast %mul3A_217 : i32 to index
        %swap3A_219 = tpu.vector_load %arg14[%swap3A_218] {strides = array<i32>} : memref<24848xi32, #tpu.memory_space<vmem>>, vector<16xi32>,
        tpu.vector_store %arg14[%swap3A_218], %broadcast_in_dim3A_3 {strides = array<i32>} : memref<24848xi32, #tpu.memory_space<vmem>>, vector<16xi32>,
        %scan3A_220 = arith.constant 0 : i32
        scf.yield %scan3A_220 : i32
      }
      %scan3A_173 = arith.constant 16 : i32
      %dma_wait3A_174 = arith.constant 0 : i32
      %dma_wait3A_175 = arith.constant 0 : i32
      %dma_wait3A_176 = tpu.memref_slice %arg11[%dma_wait3A_174, %dma_wait3A_175] : memref<192x128xf32, #tpu.memory_space<vmem>> -> memref<96x128xf32, #tpu.memory_space<vmem>>
      %dma_wait3A_177 = arith.constant 0 : i32
      %dma_wait3A_178 = tpu.memref_slice %arg9[%dma_wait3A_177] : memref<816xi32, #tpu.memory_space<vmem>> -> memref<96xi32, #tpu.memory_space<vmem>>
      %dma_wait3A_179 = arith.constant 0 : i32
      %dma_wait3A_180 = arith.constant 0 : i32
      %dma_wait3A_181 = tpu.memref_slice %arg2[%dma_wait3A_179, %dma_wait3A_180] : memref<3276800x128xf32, #tpu.memory_space<hbm>> -> memref<3276800x128xf32, #tpu.memory_space<hbm>>
      tpu.wait_indirect_dma semaphore(%arg15 : memref<!tpu.dma_semaphore, #tpu.memory_space<semaphore_mem>>) src(%dma_wait3A_181 : memref<3276800x128xf32, #tpu.memory_space<hbm>>) dst(%dma_wait3A_176 : memref<96x128xf32, #tpu.memory_space<vmem>>)
      %gt3A_182 = arith.constant 96 : i32
      %gt3A_183 = arith.cmpi sgt, %reduce_max3A_92, %gt3A_182 : i32
      %convert_element_type3A_184 = arith.extui %gt3A_183 : i1 to i32
      %cond3A_185 = arith.constant 0 : i32
      %cond3A_186 = arith.cmpi ne, %convert_element_type3A_184, %cond3A_185 : i32
      scf.if %cond3A_186 {
        %dma_wait3A_211 = arith.constant 96 : i32
        %dma_wait3A_212 = arith.constant 0 : i32
        %dma_wait3A_213 = tpu.memref_slice %arg11[%dma_wait3A_211, %dma_wait3A_212] : memref<192x128xf32, #tpu.memory_space<vmem>> -> memref<96x128xf32, #tpu.memory_space<vmem>>
        %dma_wait3A_214 = arith.constant 96 : i32
        %dma_wait3A_215 = tpu.memref_slice %arg9[%dma_wait3A_214] : memref<816xi32, #tpu.memory_space<vmem>> -> memref<96xi32, #tpu.memory_space<vmem>>
        %dma_wait3A_216 = arith.constant 0 : i32
        %dma_wait3A_217 = arith.constant 0 : i32
        %dma_wait3A_218 = tpu.memref_slice %arg2[%dma_wait3A_216, %dma_wait3A_217] : memref<3276800x128xf32, #tpu.memory_space<hbm>> -> memref<3276800x128xf32, #tpu.memory_space<hbm>>
        tpu.wait_indirect_dma semaphore(%arg15 : memref<!tpu.dma_semaphore, #tpu.memory_space<semaphore_mem>>) src(%dma_wait3A_218 : memref<3276800x128xf32, #tpu.memory_space<hbm>>) dst(%dma_wait3A_213 : memref<96x128xf32, #tpu.memory_space<vmem>>)
      } else {
      }
      %min3A_187 = arith.constant 192 : i32
      %min3A_188 = arith.minsi %reduce_max3A_92, %min3A_187 : i32
      %mul3A_189 = arith.constant 8 : i32
      %mul3A_190 = arith.muli %min3A_188, %mul3A_189 : i32
      %broadcast_in_dim3A_191 = arith.constant 0 : i32
      %broadcast_in_dim3A_192 = vector.broadcast %broadcast_in_dim3A_191 : i32 to vector<16xi32>
      %while3A_193 = arith.constant 0 : i32
      %while3A_194 = arith.subi %mul3A_190, %while3A_193 : i32
      %while3A_195 = arith.addi %while3A_193, %while3A_194 : i32
      %while3A_196 = arith.constant 1 : i32
      %while3A_197 = arith.divsi %while3A_194, %while3A_196 : i32
      %while3A_198 = arith.muli %while3A_197, %while3A_196 : i32
      %while3A_199 = arith.addi %while3A_193, %while3A_198 : i32
      %while3A_200 = arith.constant 1 : i32
      %while3A_201 = scf.for %while3A_211 = %while3A_193 to %while3A_199 step %while3A_200 iter_args(%while3A_212 = %broadcast_in_dim3A_192) -> (vector<16xi32>)  : i32 {
        %shift_right_logical3A = arith.constant 3 : i32
        %shift_right_logical3A_213 = arith.shrui %while3A_211, %shift_right_logical3A : i32
        %and3A = arith.constant 7 : i32
        %and3A_214 = arith.andi %while3A_211, %and3A : i32
        %mul3A_215 = arith.constant 16 : i32
        %mul3A_216 = arith.muli %and3A_214, %mul3A_215 : i32
        %get3A = arith.index_cast %shift_right_logical3A_213 : i32 to index
        %get3A_217 = arith.index_cast %mul3A_216 : i32 to index
        %get3A_218 = tpu.vector_load %arg11[%get3A, %get3A_217] {strides = array<i32>} : memref<192x128xf32, #tpu.memory_space<vmem>>, vector<16xf32>,
        %ge3A = arith.cmpf oge, %get3A_218, %gather3A_166 : vector<16xf32>
        %convert_element_type3A_219 = arith.extui %ge3A : vector<16xi1> to vector<16xi32>
        %broadcast_in_dim3A_220 = arith.constant true
        %broadcast_in_dim3A_221 = vector.broadcast %broadcast_in_dim3A_220 : i1 to vector<16xi1>
        %masked_cumsum3A = tpu.scan <sum>, %convert_element_type3A_219 masked %broadcast_in_dim3A_221 : vector<16xi32>, vector<16xi1> -> vector<16xi32>
        %add3A_222 = arith.addi %while3A_212, %masked_cumsum3A : vector<16xi32>
        %sub3A_223 = arith.constant 1 : i32
        %sub3A_224 = vector.broadcast %sub3A_223 : i32 to vector<16xi32>
        %sub3A_225 = arith.subi %add3A_222, %sub3A_224 : vector<16xi32>
        %jit3A = arith.constant 24832 : i32
        %broadcast_in_dim3A_226 = vector.broadcast %jit3A : i32 to vector<16xi32>
        %select_n3A = arith.select %ge3A, %sub3A_225, %broadcast_in_dim3A_226 : vector<16xi1>, vector<16xi32>
        tpu.vector_store_idx %arg13[%select_n3A], %get3A_218 : memref<24848xf32, #tpu.memory_space<vmem>>[vector<16xi32>], vector<16xf32>,
        %mul3A_227 = arith.constant 16 : i32
        %mul3A_228 = arith.muli %while3A_211, %mul3A_227 : i32
        %add3A_229 = vector.broadcast %mul3A_228 : i32 to vector<16xi32>
        %add3A_230 = arith.addi %add3A_229, %iota3A : vector<16xi32>
        tpu.vector_store_idx %arg14[%select_n3A], %add3A_230 : memref<24848xi32, #tpu.memory_space<vmem>>[vector<16xi32>], vector<16xi32>,
        %all_reduce_population_count3A = tpu.all_reduce %ge3A {dim = 0 : i64, kind = #tpu.reduction_kind<sum>} : vector<16xi1> -> vector<16xi32>
        %add3A_231 = arith.addi %while3A_212, %all_reduce_population_count3A : vector<16xi32>
        scf.yield %add3A_231 : vector<16xi32>
      }
      %while3A_202 = arith.constant 1 : i32
      %while3A_203 = scf.for %while3A_211 = %while3A_199 to %while3A_195 step %while3A_202 iter_args(%while3A_212 = %while3A_201) -> (vector<16xi32>)  : i32 {
        %shift_right_logical3A = arith.constant 3 : i32
        %shift_right_logical3A_213 = arith.shrui %while3A_211, %shift_right_logical3A : i32
        %and3A = arith.constant 7 : i32
        %and3A_214 = arith.andi %while3A_211, %and3A : i32
        %mul3A_215 = arith.constant 16 : i32
        %mul3A_216 = arith.muli %and3A_214, %mul3A_215 : i32
        %get3A = arith.index_cast %shift_right_logical3A_213 : i32 to index
        %get3A_217 = arith.index_cast %mul3A_216 : i32 to index
        %get3A_218 = tpu.vector_load %arg11[%get3A, %get3A_217] {strides = array<i32>} : memref<192x128xf32, #tpu.memory_space<vmem>>, vector<16xf32>,
        %ge3A = arith.cmpf oge, %get3A_218, %gather3A_166 : vector<16xf32>
        %convert_element_type3A_219 = arith.extui %ge3A : vector<16xi1> to vector<16xi32>
        %broadcast_in_dim3A_220 = arith.constant true
        %broadcast_in_dim3A_221 = vector.broadcast %broadcast_in_dim3A_220 : i1 to vector<16xi1>
        %masked_cumsum3A = tpu.scan <sum>, %convert_element_type3A_219 masked %broadcast_in_dim3A_221 : vector<16xi32>, vector<16xi1> -> vector<16xi32>
        %add3A_222 = arith.addi %while3A_212, %masked_cumsum3A : vector<16xi32>
        %sub3A_223 = arith.constant 1 : i32
        %sub3A_224 = vector.broadcast %sub3A_223 : i32 to vector<16xi32>
        %sub3A_225 = arith.subi %add3A_222, %sub3A_224 : vector<16xi32>
        %jit3A = arith.constant 24832 : i32
        %broadcast_in_dim3A_226 = vector.broadcast %jit3A : i32 to vector<16xi32>
        %select_n3A = arith.select %ge3A, %sub3A_225, %broadcast_in_dim3A_226 : vector<16xi1>, vector<16xi32>
        tpu.vector_store_idx %arg13[%select_n3A], %get3A_218 : memref<24848xf32, #tpu.memory_space<vmem>>[vector<16xi32>], vector<16xf32>,
        %mul3A_227 = arith.constant 16 : i32
        %mul3A_228 = arith.muli %while3A_211, %mul3A_227 : i32
        %add3A_229 = vector.broadcast %mul3A_228 : i32 to vector<16xi32>
        %add3A_230 = arith.addi %add3A_229, %iota3A : vector<16xi32>
        tpu.vector_store_idx %arg14[%select_n3A], %add3A_230 : memref<24848xi32, #tpu.memory_space<vmem>>[vector<16xi32>], vector<16xi32>,
        %all_reduce_population_count3A = tpu.all_reduce %ge3A {dim = 0 : i64, kind = #tpu.reduction_kind<sum>} : vector<16xi1> -> vector<16xi32>
        %add3A_231 = arith.addi %while3A_212, %all_reduce_population_count3A : vector<16xi32>
        scf.yield %add3A_231 : vector<16xi32>
      }
      %scan3A_204 = arith.constant 0 : i32
      %scan3A_205 = arith.constant 0 : i32
      %scan3A_206 = arith.constant 16 : i32
      %scan3A_207 = arith.addi %scan3A_205, %scan3A_206 : i32
      %scan3A_208 = arith.constant 1 : i32
      %scan3A_209 = scf.for %scan3A_211 = %scan3A_205 to %scan3A_207 step %scan3A_208 iter_args(%scan3A_212 = %scan3A_204) -> (i32)  : i32 {
        %mul3A_213 = arith.constant 16 : i32
        %mul3A_214 = arith.muli %scan3A_211, %mul3A_213 : i32
        %get3A = arith.index_cast %mul3A_214 : i32 to index
        %get3A_215 = tpu.vector_load %arg14[%get3A] {strides = array<i32>} : memref<24848xi32, #tpu.memory_space<vmem>>, vector<16xi32>,
        %shift_right_logical3A = arith.constant 7 : i32
        %shift_right_logical3A_216 = vector.broadcast %shift_right_logical3A : i32 to vector<16xi32>
        %shift_right_logical3A_217 = arith.shrui %get3A_215, %shift_right_logical3A_216 : vector<16xi32>
        %gather3A_218 = tpu.vector_load_idx %arg9[%shift_right_logical3A_217] : memref<816xi32, #tpu.memory_space<vmem>>[vector<16xi32>], vector<16xi32>,
        %sub3A_219 = vector.broadcast %mul3A_164 : i32 to vector<16xi32>
        %sub3A_220 = arith.subi %gather3A_218, %sub3A_219 : vector<16xi32>
        %mul3A_221 = arith.constant 128 : i32
        %mul3A_222 = vector.broadcast %mul3A_221 : i32 to vector<16xi32>
        %mul3A_223 = arith.muli %sub3A_220, %mul3A_222 : vector<16xi32>
        %and3A = arith.constant 127 : i32
        %and3A_224 = vector.broadcast %and3A : i32 to vector<16xi32>
        %and3A_225 = arith.andi %get3A_215, %and3A_224 : vector<16xi32>
        %add3A_226 = arith.addi %mul3A_223, %and3A_225 : vector<16xi32>
        %mul3A_227 = arith.constant 16 : i32
        %mul3A_228 = arith.muli %scan3A_211, %mul3A_227 : i32
        %swap3A = arith.index_cast %mul3A_228 : i32 to index
        %swap3A_229 = tpu.vector_load %arg14[%swap3A] {strides = array<i32>} : memref<24848xi32, #tpu.memory_space<vmem>>, vector<16xi32>,
        tpu.vector_store %arg14[%swap3A], %add3A_226 {strides = array<i32>} : memref<24848xi32, #tpu.memory_space<vmem>>, vector<16xi32>,
        %scan3A_230 = arith.constant 0 : i32
        scf.yield %scan3A_230 : i32
      }
      %scan3A_210 = arith.constant 16 : i32
      "tpu.region"() ({
        %run_scoped3A = tpu.sem_alloc : memref<!tpu.dma_semaphore, #tpu.memory_space<semaphore_mem>>
        %dma_start3A_211 = arith.constant 0 : i32
        %dma_start3A_212 = tpu.memref_slice %arg13[%dma_start3A_211] : memref<24848xf32, #tpu.memory_space<vmem>> -> memref<256xf32, #tpu.memory_space<vmem>>
        %dma_start3A_213 = arith.constant 0 : i32
        %dma_start3A_214 = tpu.memref_slice %arg5[%add3A_162, %dma_start3A_213] : memref<4096x256xf32, #tpu.memory_space<hbm>> -> memref<1x256xf32, #tpu.memory_space<hbm>>
        %dma_start3A_215 = tpu.memref_squeeze %dma_start3A_214 : memref<1x256xf32, #tpu.memory_space<hbm>> -> memref<256xf32, #tpu.memory_space<hbm>>
        %dma_start3A_216 = arith.constant 0 : i32
        %dma_start3A_217 = tpu.memref_slice %arg5[%add3A_162, %dma_start3A_216] : memref<4096x256xf32, #tpu.memory_space<hbm>> -> memref<1x256xf32, #tpu.memory_space<hbm>>
        %dma_start3A_218 = tpu.memref_squeeze %dma_start3A_217 : memref<1x256xf32, #tpu.memory_space<hbm>> -> memref<256xf32, #tpu.memory_space<hbm>>
        %dma_start3A_219 = arith.constant 0 : i32
        %dma_start3A_220 = tpu.memref_slice %arg13[%dma_start3A_219] : memref<24848xf32, #tpu.memory_space<vmem>> -> memref<256xf32, #tpu.memory_space<vmem>>
        tpu.enqueue_dma source(%dma_start3A_220 : memref<256xf32, #tpu.memory_space<vmem>>) target(%dma_start3A_218 : memref<256xf32, #tpu.memory_space<hbm>>) target_semaphore(%run_scoped3A : memref<!tpu.dma_semaphore, #tpu.memory_space<semaphore_mem>>)
        %dma_wait3A_221 = arith.constant 0 : i32
        %dma_wait3A_222 = tpu.memref_slice %arg13[%dma_wait3A_221] : memref<24848xf32, #tpu.memory_space<vmem>> -> memref<256xf32, #tpu.memory_space<vmem>>
        %dma_wait3A_223 = arith.constant 0 : i32
        %dma_wait3A_224 = tpu.memref_slice %arg5[%add3A_162, %dma_wait3A_223] : memref<4096x256xf32, #tpu.memory_space<hbm>> -> memref<1x256xf32, #tpu.memory_space<hbm>>
        %dma_wait3A_225 = tpu.memref_squeeze %dma_wait3A_224 : memref<1x256xf32, #tpu.memory_space<hbm>> -> memref<256xf32, #tpu.memory_space<hbm>>
        %dma_wait3A_226 = arith.constant 0 : i32
        %dma_wait3A_227 = tpu.memref_slice %arg5[%add3A_162, %dma_wait3A_226] : memref<4096x256xf32, #tpu.memory_space<hbm>> -> memref<1x256xf32, #tpu.memory_space<hbm>>
        %dma_wait3A_228 = tpu.memref_squeeze %dma_wait3A_227 : memref<1x256xf32, #tpu.memory_space<hbm>> -> memref<256xf32, #tpu.memory_space<hbm>>
        %dma_wait3A_229 = arith.constant 0 : i32
        %dma_wait3A_230 = tpu.memref_slice %arg13[%dma_wait3A_229] : memref<24848xf32, #tpu.memory_space<vmem>> -> memref<256xf32, #tpu.memory_space<vmem>>
        tpu.wait_dma2 semaphore(%run_scoped3A : memref<!tpu.dma_semaphore, #tpu.memory_space<semaphore_mem>>) src(%dma_wait3A_230 : memref<256xf32, #tpu.memory_space<vmem>>) dst(%dma_wait3A_228 : memref<256xf32, #tpu.memory_space<hbm>>)
        tpu.yield
      }) : () -> ()
      "tpu.region"() ({
        %run_scoped3A = tpu.sem_alloc : memref<!tpu.dma_semaphore, #tpu.memory_space<semaphore_mem>>
        %dma_start3A_211 = arith.constant 0 : i32
        %dma_start3A_212 = tpu.memref_slice %arg14[%dma_start3A_211] : memref<24848xi32, #tpu.memory_space<vmem>> -> memref<256xi32, #tpu.memory_space<vmem>>
        %dma_start3A_213 = arith.constant 0 : i32
        %dma_start3A_214 = tpu.memref_slice %arg6[%add3A_162, %dma_start3A_213] : memref<4096x256xi32, #tpu.memory_space<hbm>> -> memref<1x256xi32, #tpu.memory_space<hbm>>
        %dma_start3A_215 = tpu.memref_squeeze %dma_start3A_214 : memref<1x256xi32, #tpu.memory_space<hbm>> -> memref<256xi32, #tpu.memory_space<hbm>>
        %dma_start3A_216 = arith.constant 0 : i32
        %dma_start3A_217 = tpu.memref_slice %arg6[%add3A_162, %dma_start3A_216] : memref<4096x256xi32, #tpu.memory_space<hbm>> -> memref<1x256xi32, #tpu.memory_space<hbm>>
        %dma_start3A_218 = tpu.memref_squeeze %dma_start3A_217 : memref<1x256xi32, #tpu.memory_space<hbm>> -> memref<256xi32, #tpu.memory_space<hbm>>
        %dma_start3A_219 = arith.constant 0 : i32
        %dma_start3A_220 = tpu.memref_slice %arg14[%dma_start3A_219] : memref<24848xi32, #tpu.memory_space<vmem>> -> memref<256xi32, #tpu.memory_space<vmem>>
        tpu.enqueue_dma source(%dma_start3A_220 : memref<256xi32, #tpu.memory_space<vmem>>) target(%dma_start3A_218 : memref<256xi32, #tpu.memory_space<hbm>>) target_semaphore(%run_scoped3A : memref<!tpu.dma_semaphore, #tpu.memory_space<semaphore_mem>>)
        %dma_wait3A_221 = arith.constant 0 : i32
        %dma_wait3A_222 = tpu.memref_slice %arg14[%dma_wait3A_221] : memref<24848xi32, #tpu.memory_space<vmem>> -> memref<256xi32, #tpu.memory_space<vmem>>
        %dma_wait3A_223 = arith.constant 0 : i32
        %dma_wait3A_224 = tpu.memref_slice %arg6[%add3A_162, %dma_wait3A_223] : memref<4096x256xi32, #tpu.memory_space<hbm>> -> memref<1x256xi32, #tpu.memory_space<hbm>>
        %dma_wait3A_225 = tpu.memref_squeeze %dma_wait3A_224 : memref<1x256xi32, #tpu.memory_space<hbm>> -> memref<256xi32, #tpu.memory_space<hbm>>
        %dma_wait3A_226 = arith.constant 0 : i32
        %dma_wait3A_227 = tpu.memref_slice %arg6[%add3A_162, %dma_wait3A_226] : memref<4096x256xi32, #tpu.memory_space<hbm>> -> memref<1x256xi32, #tpu.memory_space<hbm>>
        %dma_wait3A_228 = tpu.memref_squeeze %dma_wait3A_227 : memref<1x256xi32, #tpu.memory_space<hbm>> -> memref<256xi32, #tpu.memory_space<hbm>>
        %dma_wait3A_229 = arith.constant 0 : i32
        %dma_wait3A_230 = tpu.memref_slice %arg14[%dma_wait3A_229] : memref<24848xi32, #tpu.memory_space<vmem>> -> memref<256xi32, #tpu.memory_space<vmem>>
        tpu.wait_dma2 semaphore(%run_scoped3A : memref<!tpu.dma_semaphore, #tpu.memory_space<semaphore_mem>>) src(%dma_wait3A_230 : memref<256xi32, #tpu.memory_space<vmem>>) dst(%dma_wait3A_228 : memref<256xi32, #tpu.memory_space<hbm>>)
        tpu.yield
      }) : () -> ()
      scf.yield %reduce_max3A_146 : i32
    }
    %scan3A_9 = arith.constant 64 : i32
    %mul3A_10 = arith.constant 128 : i32
    %mul3A_11 = arith.muli %add3A, %mul3A_10 : i32
    %add3A_12 = arith.constant 127 : i32
    %add3A_13 = arith.addi %mul3A_11, %add3A_12 : i32
    %mul3A_14 = arith.constant 800 : i32
    %mul3A_15 = arith.muli %add3A_13, %mul3A_14 : i32
    %broadcast_in_dim3A_16 = arith.constant 127 : i32
    %broadcast_in_dim3A_17 = vector.broadcast %broadcast_in_dim3A_16 : i32 to vector<16xi32>
    %gather3A = tpu.vector_load_idx %arg8[%broadcast_in_dim3A_17] : memref<128xf32, #tpu.memory_space<vmem>>[vector<16xi32>], vector<16xf32>,
    %scan3A_18 = arith.constant 0 : i32
    %scan3A_19 = arith.constant 0 : i32
    %scan3A_20 = arith.constant 16 : i32
    %scan3A_21 = arith.addi %scan3A_19, %scan3A_20 : i32
    %scan3A_22 = arith.constant 1 : i32
    %scan3A_23 = scf.for %scan3A_56 = %scan3A_19 to %scan3A_21 step %scan3A_22 iter_args(%scan3A_57 = %scan3A_18) -> (i32)  : i32 {
      %mul3A_58 = arith.constant 16 : i32
      %mul3A_59 = arith.muli %scan3A_56, %mul3A_58 : i32
      %swap3A = arith.index_cast %mul3A_59 : i32 to index
      %swap3A_60 = tpu.vector_load %arg13[%swap3A] {strides = array<i32>} : memref<24848xf32, #tpu.memory_space<vmem>>, vector<16xf32>,
      tpu.vector_store %arg13[%swap3A], %broadcast_in_dim3A_1 {strides = array<i32>} : memref<24848xf32, #tpu.memory_space<vmem>>, vector<16xf32>,
      %mul3A_61 = arith.constant 16 : i32
      %mul3A_62 = arith.muli %scan3A_56, %mul3A_61 : i32
      %swap3A_63 = arith.index_cast %mul3A_62 : i32 to index
      %swap3A_64 = tpu.vector_load %arg14[%swap3A_63] {strides = array<i32>} : memref<24848xi32, #tpu.memory_space<vmem>>, vector<16xi32>,
      tpu.vector_store %arg14[%swap3A_63], %broadcast_in_dim3A_3 {strides = array<i32>} : memref<24848xi32, #tpu.memory_space<vmem>>, vector<16xi32>,
      %scan3A_65 = arith.constant 0 : i32
      scf.yield %scan3A_65 : i32
    }
    %scan3A_24 = arith.constant 16 : i32
    %dma_wait3A = arith.constant 0 : i32
    %dma_wait3A_25 = arith.constant 0 : i32
    %dma_wait3A_26 = tpu.memref_slice %arg12[%dma_wait3A, %dma_wait3A_25] : memref<192x128xf32, #tpu.memory_space<vmem>> -> memref<96x128xf32, #tpu.memory_space<vmem>>
    %dma_wait3A_27 = arith.constant 0 : i32
    %dma_wait3A_28 = tpu.memref_slice %arg10[%dma_wait3A_27] : memref<816xi32, #tpu.memory_space<vmem>> -> memref<96xi32, #tpu.memory_space<vmem>>
    %dma_wait3A_29 = arith.constant 0 : i32
    %dma_wait3A_30 = arith.constant 0 : i32
    %dma_wait3A_31 = tpu.memref_slice %arg2[%dma_wait3A_29, %dma_wait3A_30] : memref<3276800x128xf32, #tpu.memory_space<hbm>> -> memref<3276800x128xf32, #tpu.memory_space<hbm>>
    tpu.wait_indirect_dma semaphore(%arg15 : memref<!tpu.dma_semaphore, #tpu.memory_space<semaphore_mem>>) src(%dma_wait3A_31 : memref<3276800x128xf32, #tpu.memory_space<hbm>>) dst(%dma_wait3A_26 : memref<96x128xf32, #tpu.memory_space<vmem>>)
    %gt3A = arith.constant 96 : i32
    %gt3A_32 = arith.cmpi sgt, %scan3A_8, %gt3A : i32
    %convert_element_type3A = arith.extui %gt3A_32 : i1 to i32
    %cond3A = arith.constant 0 : i32
    %cond3A_33 = arith.cmpi ne, %convert_element_type3A, %cond3A : i32
    scf.if %cond3A_33 {
      %dma_wait3A_56 = arith.constant 96 : i32
      %dma_wait3A_57 = arith.constant 0 : i32
      %dma_wait3A_58 = tpu.memref_slice %arg12[%dma_wait3A_56, %dma_wait3A_57] : memref<192x128xf32, #tpu.memory_space<vmem>> -> memref<96x128xf32, #tpu.memory_space<vmem>>
      %dma_wait3A_59 = arith.constant 96 : i32
      %dma_wait3A_60 = tpu.memref_slice %arg10[%dma_wait3A_59] : memref<816xi32, #tpu.memory_space<vmem>> -> memref<96xi32, #tpu.memory_space<vmem>>
      %dma_wait3A_61 = arith.constant 0 : i32
      %dma_wait3A_62 = arith.constant 0 : i32
      %dma_wait3A_63 = tpu.memref_slice %arg2[%dma_wait3A_61, %dma_wait3A_62] : memref<3276800x128xf32, #tpu.memory_space<hbm>> -> memref<3276800x128xf32, #tpu.memory_space<hbm>>
      tpu.wait_indirect_dma semaphore(%arg15 : memref<!tpu.dma_semaphore, #tpu.memory_space<semaphore_mem>>) src(%dma_wait3A_63 : memref<3276800x128xf32, #tpu.memory_space<hbm>>) dst(%dma_wait3A_58 : memref<96x128xf32, #tpu.memory_space<vmem>>)
    } else {
    }
    %min3A = arith.constant 192 : i32
    %min3A_34 = arith.minsi %scan3A_8, %min3A : i32
    %mul3A_35 = arith.constant 8 : i32
    %mul3A_36 = arith.muli %min3A_34, %mul3A_35 : i32
    %broadcast_in_dim3A_37 = arith.constant 0 : i32
    %broadcast_in_dim3A_38 = vector.broadcast %broadcast_in_dim3A_37 : i32 to vector<16xi32>
    %while3A = arith.constant 0 : i32
    %while3A_39 = arith.subi %mul3A_36, %while3A : i32
    %while3A_40 = arith.addi %while3A, %while3A_39 : i32
    %while3A_41 = arith.constant 1 : i32
    %while3A_42 = arith.divsi %while3A_39, %while3A_41 : i32
    %while3A_43 = arith.muli %while3A_42, %while3A_41 : i32
    %while3A_44 = arith.addi %while3A, %while3A_43 : i32
    %while3A_45 = arith.constant 1 : i32
    %while3A_46 = scf.for %while3A_56 = %while3A to %while3A_44 step %while3A_45 iter_args(%while3A_57 = %broadcast_in_dim3A_38) -> (vector<16xi32>)  : i32 {
      %shift_right_logical3A = arith.constant 3 : i32
      %shift_right_logical3A_58 = arith.shrui %while3A_56, %shift_right_logical3A : i32
      %and3A = arith.constant 7 : i32
      %and3A_59 = arith.andi %while3A_56, %and3A : i32
      %mul3A_60 = arith.constant 16 : i32
      %mul3A_61 = arith.muli %and3A_59, %mul3A_60 : i32
      %get3A = arith.index_cast %shift_right_logical3A_58 : i32 to index
      %get3A_62 = arith.index_cast %mul3A_61 : i32 to index
      %get3A_63 = tpu.vector_load %arg12[%get3A, %get3A_62] {strides = array<i32>} : memref<192x128xf32, #tpu.memory_space<vmem>>, vector<16xf32>,
      %ge3A = arith.cmpf oge, %get3A_63, %gather3A : vector<16xf32>
      %convert_element_type3A_64 = arith.extui %ge3A : vector<16xi1> to vector<16xi32>
      %broadcast_in_dim3A_65 = arith.constant true
      %broadcast_in_dim3A_66 = vector.broadcast %broadcast_in_dim3A_65 : i1 to vector<16xi1>
      %masked_cumsum3A = tpu.scan <sum>, %convert_element_type3A_64 masked %broadcast_in_dim3A_66 : vector<16xi32>, vector<16xi1> -> vector<16xi32>
      %add3A_67 = arith.addi %while3A_57, %masked_cumsum3A : vector<16xi32>
      %sub3A = arith.constant 1 : i32
      %sub3A_68 = vector.broadcast %sub3A : i32 to vector<16xi32>
      %sub3A_69 = arith.subi %add3A_67, %sub3A_68 : vector<16xi32>
      %jit3A = arith.constant 24832 : i32
      %broadcast_in_dim3A_70 = vector.broadcast %jit3A : i32 to vector<16xi32>
      %select_n3A = arith.select %ge3A, %sub3A_69, %broadcast_in_dim3A_70 : vector<16xi1>, vector<16xi32>
      tpu.vector_store_idx %arg13[%select_n3A], %get3A_63 : memref<24848xf32, #tpu.memory_space<vmem>>[vector<16xi32>], vector<16xf32>,
      %mul3A_71 = arith.constant 16 : i32
      %mul3A_72 = arith.muli %while3A_56, %mul3A_71 : i32
      %add3A_73 = vector.broadcast %mul3A_72 : i32 to vector<16xi32>
      %add3A_74 = arith.addi %add3A_73, %iota3A : vector<16xi32>
      tpu.vector_store_idx %arg14[%select_n3A], %add3A_74 : memref<24848xi32, #tpu.memory_space<vmem>>[vector<16xi32>], vector<16xi32>,
      %all_reduce_population_count3A = tpu.all_reduce %ge3A {dim = 0 : i64, kind = #tpu.reduction_kind<sum>} : vector<16xi1> -> vector<16xi32>
      %add3A_75 = arith.addi %while3A_57, %all_reduce_population_count3A : vector<16xi32>
      scf.yield %add3A_75 : vector<16xi32>
    }
    %while3A_47 = arith.constant 1 : i32
    %while3A_48 = scf.for %while3A_56 = %while3A_44 to %while3A_40 step %while3A_47 iter_args(%while3A_57 = %while3A_46) -> (vector<16xi32>)  : i32 {
      %shift_right_logical3A = arith.constant 3 : i32
      %shift_right_logical3A_58 = arith.shrui %while3A_56, %shift_right_logical3A : i32
      %and3A = arith.constant 7 : i32
      %and3A_59 = arith.andi %while3A_56, %and3A : i32
      %mul3A_60 = arith.constant 16 : i32
      %mul3A_61 = arith.muli %and3A_59, %mul3A_60 : i32
      %get3A = arith.index_cast %shift_right_logical3A_58 : i32 to index
      %get3A_62 = arith.index_cast %mul3A_61 : i32 to index
      %get3A_63 = tpu.vector_load %arg12[%get3A, %get3A_62] {strides = array<i32>} : memref<192x128xf32, #tpu.memory_space<vmem>>, vector<16xf32>,
      %ge3A = arith.cmpf oge, %get3A_63, %gather3A : vector<16xf32>
      %convert_element_type3A_64 = arith.extui %ge3A : vector<16xi1> to vector<16xi32>
      %broadcast_in_dim3A_65 = arith.constant true
      %broadcast_in_dim3A_66 = vector.broadcast %broadcast_in_dim3A_65 : i1 to vector<16xi1>
      %masked_cumsum3A = tpu.scan <sum>, %convert_element_type3A_64 masked %broadcast_in_dim3A_66 : vector<16xi32>, vector<16xi1> -> vector<16xi32>
      %add3A_67 = arith.addi %while3A_57, %masked_cumsum3A : vector<16xi32>
      %sub3A = arith.constant 1 : i32
      %sub3A_68 = vector.broadcast %sub3A : i32 to vector<16xi32>
      %sub3A_69 = arith.subi %add3A_67, %sub3A_68 : vector<16xi32>
      %jit3A = arith.constant 24832 : i32
      %broadcast_in_dim3A_70 = vector.broadcast %jit3A : i32 to vector<16xi32>
      %select_n3A = arith.select %ge3A, %sub3A_69, %broadcast_in_dim3A_70 : vector<16xi1>, vector<16xi32>
      tpu.vector_store_idx %arg13[%select_n3A], %get3A_63 : memref<24848xf32, #tpu.memory_space<vmem>>[vector<16xi32>], vector<16xf32>,
      %mul3A_71 = arith.constant 16 : i32
      %mul3A_72 = arith.muli %while3A_56, %mul3A_71 : i32
      %add3A_73 = vector.broadcast %mul3A_72 : i32 to vector<16xi32>
      %add3A_74 = arith.addi %add3A_73, %iota3A : vector<16xi32>
      tpu.vector_store_idx %arg14[%select_n3A], %add3A_74 : memref<24848xi32, #tpu.memory_space<vmem>>[vector<16xi32>], vector<16xi32>,
      %all_reduce_population_count3A = tpu.all_reduce %ge3A {dim = 0 : i64, kind = #tpu.reduction_kind<sum>} : vector<16xi1> -> vector<16xi32>
      %add3A_75 = arith.addi %while3A_57, %all_reduce_population_count3A : vector<16xi32>
      scf.yield %add3A_75 : vector<16xi32>
    }
    %scan3A_49 = arith.constant 0 : i32
    %scan3A_50 = arith.constant 0 : i32
    %scan3A_51 = arith.constant 16 : i32
    %scan3A_52 = arith.addi %scan3A_50, %scan3A_51 : i32
    %scan3A_53 = arith.constant 1 : i32
    %scan3A_54 = scf.for %scan3A_56 = %scan3A_50 to %scan3A_52 step %scan3A_53 iter_args(%scan3A_57 = %scan3A_49) -> (i32)  : i32 {
      %mul3A_58 = arith.constant 16 : i32
      %mul3A_59 = arith.muli %scan3A_56, %mul3A_58 : i32
      %get3A = arith.index_cast %mul3A_59 : i32 to index
      %get3A_60 = tpu.vector_load %arg14[%get3A] {strides = array<i32>} : memref<24848xi32, #tpu.memory_space<vmem>>, vector<16xi32>,
      %shift_right_logical3A = arith.constant 7 : i32
      %shift_right_logical3A_61 = vector.broadcast %shift_right_logical3A : i32 to vector<16xi32>
      %shift_right_logical3A_62 = arith.shrui %get3A_60, %shift_right_logical3A_61 : vector<16xi32>
      %gather3A_63 = tpu.vector_load_idx %arg10[%shift_right_logical3A_62] : memref<816xi32, #tpu.memory_space<vmem>>[vector<16xi32>], vector<16xi32>,
      %sub3A = vector.broadcast %mul3A_15 : i32 to vector<16xi32>
      %sub3A_64 = arith.subi %gather3A_63, %sub3A : vector<16xi32>
      %mul3A_65 = arith.constant 128 : i32
      %mul3A_66 = vector.broadcast %mul3A_65 : i32 to vector<16xi32>
      %mul3A_67 = arith.muli %sub3A_64, %mul3A_66 : vector<16xi32>
      %and3A = arith.constant 127 : i32
      %and3A_68 = vector.broadcast %and3A : i32 to vector<16xi32>
      %and3A_69 = arith.andi %get3A_60, %and3A_68 : vector<16xi32>
      %add3A_70 = arith.addi %mul3A_67, %and3A_69 : vector<16xi32>
      %mul3A_71 = arith.constant 16 : i32
      %mul3A_72 = arith.muli %scan3A_56, %mul3A_71 : i32
      %swap3A = arith.index_cast %mul3A_72 : i32 to index
      %swap3A_73 = tpu.vector_load %arg14[%swap3A] {strides = array<i32>} : memref<24848xi32, #tpu.memory_space<vmem>>, vector<16xi32>,
      tpu.vector_store %arg14[%swap3A], %add3A_70 {strides = array<i32>} : memref<24848xi32, #tpu.memory_space<vmem>>, vector<16xi32>,
      %scan3A_74 = arith.constant 0 : i32
      scf.yield %scan3A_74 : i32
    }
    %scan3A_55 = arith.constant 16 : i32
    "tpu.region"() ({
      %run_scoped3A = tpu.sem_alloc : memref<!tpu.dma_semaphore, #tpu.memory_space<semaphore_mem>>
      %dma_start3A = arith.constant 0 : i32
      %dma_start3A_56 = tpu.memref_slice %arg13[%dma_start3A] : memref<24848xf32, #tpu.memory_space<vmem>> -> memref<256xf32, #tpu.memory_space<vmem>>
      %dma_start3A_57 = arith.constant 0 : i32
      %dma_start3A_58 = tpu.memref_slice %arg5[%add3A_13, %dma_start3A_57] : memref<4096x256xf32, #tpu.memory_space<hbm>> -> memref<1x256xf32, #tpu.memory_space<hbm>>
      %dma_start3A_59 = tpu.memref_squeeze %dma_start3A_58 : memref<1x256xf32, #tpu.memory_space<hbm>> -> memref<256xf32, #tpu.memory_space<hbm>>
      %dma_start3A_60 = arith.constant 0 : i32
      %dma_start3A_61 = tpu.memref_slice %arg5[%add3A_13, %dma_start3A_60] : memref<4096x256xf32, #tpu.memory_space<hbm>> -> memref<1x256xf32, #tpu.memory_space<hbm>>
      %dma_start3A_62 = tpu.memref_squeeze %dma_start3A_61 : memref<1x256xf32, #tpu.memory_space<hbm>> -> memref<256xf32, #tpu.memory_space<hbm>>
      %dma_start3A_63 = arith.constant 0 : i32
      %dma_start3A_64 = tpu.memref_slice %arg13[%dma_start3A_63] : memref<24848xf32, #tpu.memory_space<vmem>> -> memref<256xf32, #tpu.memory_space<vmem>>
      tpu.enqueue_dma source(%dma_start3A_64 : memref<256xf32, #tpu.memory_space<vmem>>) target(%dma_start3A_62 : memref<256xf32, #tpu.memory_space<hbm>>) target_semaphore(%run_scoped3A : memref<!tpu.dma_semaphore, #tpu.memory_space<semaphore_mem>>)
      %dma_wait3A_65 = arith.constant 0 : i32
      %dma_wait3A_66 = tpu.memref_slice %arg13[%dma_wait3A_65] : memref<24848xf32, #tpu.memory_space<vmem>> -> memref<256xf32, #tpu.memory_space<vmem>>
      %dma_wait3A_67 = arith.constant 0 : i32
      %dma_wait3A_68 = tpu.memref_slice %arg5[%add3A_13, %dma_wait3A_67] : memref<4096x256xf32, #tpu.memory_space<hbm>> -> memref<1x256xf32, #tpu.memory_space<hbm>>
      %dma_wait3A_69 = tpu.memref_squeeze %dma_wait3A_68 : memref<1x256xf32, #tpu.memory_space<hbm>> -> memref<256xf32, #tpu.memory_space<hbm>>
      %dma_wait3A_70 = arith.constant 0 : i32
      %dma_wait3A_71 = tpu.memref_slice %arg5[%add3A_13, %dma_wait3A_70] : memref<4096x256xf32, #tpu.memory_space<hbm>> -> memref<1x256xf32, #tpu.memory_space<hbm>>
      %dma_wait3A_72 = tpu.memref_squeeze %dma_wait3A_71 : memref<1x256xf32, #tpu.memory_space<hbm>> -> memref<256xf32, #tpu.memory_space<hbm>>
      %dma_wait3A_73 = arith.constant 0 : i32
      %dma_wait3A_74 = tpu.memref_slice %arg13[%dma_wait3A_73] : memref<24848xf32, #tpu.memory_space<vmem>> -> memref<256xf32, #tpu.memory_space<vmem>>
      tpu.wait_dma2 semaphore(%run_scoped3A : memref<!tpu.dma_semaphore, #tpu.memory_space<semaphore_mem>>) src(%dma_wait3A_74 : memref<256xf32, #tpu.memory_space<vmem>>) dst(%dma_wait3A_72 : memref<256xf32, #tpu.memory_space<hbm>>)
      tpu.yield
    }) : () -> ()
    "tpu.region"() ({
      %run_scoped3A = tpu.sem_alloc : memref<!tpu.dma_semaphore, #tpu.memory_space<semaphore_mem>>
      %dma_start3A = arith.constant 0 : i32
      %dma_start3A_56 = tpu.memref_slice %arg14[%dma_start3A] : memref<24848xi32, #tpu.memory_space<vmem>> -> memref<256xi32, #tpu.memory_space<vmem>>
      %dma_start3A_57 = arith.constant 0 : i32
      %dma_start3A_58 = tpu.memref_slice %arg6[%add3A_13, %dma_start3A_57] : memref<4096x256xi32, #tpu.memory_space<hbm>> -> memref<1x256xi32, #tpu.memory_space<hbm>>
      %dma_start3A_59 = tpu.memref_squeeze %dma_start3A_58 : memref<1x256xi32, #tpu.memory_space<hbm>> -> memref<256xi32, #tpu.memory_space<hbm>>
      %dma_start3A_60 = arith.constant 0 : i32
      %dma_start3A_61 = tpu.memref_slice %arg6[%add3A_13, %dma_start3A_60] : memref<4096x256xi32, #tpu.memory_space<hbm>> -> memref<1x256xi32, #tpu.memory_space<hbm>>
      %dma_start3A_62 = tpu.memref_squeeze %dma_start3A_61 : memref<1x256xi32, #tpu.memory_space<hbm>> -> memref<256xi32, #tpu.memory_space<hbm>>
      %dma_start3A_63 = arith.constant 0 : i32
      %dma_start3A_64 = tpu.memref_slice %arg14[%dma_start3A_63] : memref<24848xi32, #tpu.memory_space<vmem>> -> memref<256xi32, #tpu.memory_space<vmem>>
      tpu.enqueue_dma source(%dma_start3A_64 : memref<256xi32, #tpu.memory_space<vmem>>) target(%dma_start3A_62 : memref<256xi32, #tpu.memory_space<hbm>>) target_semaphore(%run_scoped3A : memref<!tpu.dma_semaphore, #tpu.memory_space<semaphore_mem>>)
      %dma_wait3A_65 = arith.constant 0 : i32
      %dma_wait3A_66 = tpu.memref_slice %arg14[%dma_wait3A_65] : memref<24848xi32, #tpu.memory_space<vmem>> -> memref<256xi32, #tpu.memory_space<vmem>>
      %dma_wait3A_67 = arith.constant 0 : i32
      %dma_wait3A_68 = tpu.memref_slice %arg6[%add3A_13, %dma_wait3A_67] : memref<4096x256xi32, #tpu.memory_space<hbm>> -> memref<1x256xi32, #tpu.memory_space<hbm>>
      %dma_wait3A_69 = tpu.memref_squeeze %dma_wait3A_68 : memref<1x256xi32, #tpu.memory_space<hbm>> -> memref<256xi32, #tpu.memory_space<hbm>>
      %dma_wait3A_70 = arith.constant 0 : i32
      %dma_wait3A_71 = tpu.memref_slice %arg6[%add3A_13, %dma_wait3A_70] : memref<4096x256xi32, #tpu.memory_space<hbm>> -> memref<1x256xi32, #tpu.memory_space<hbm>>
      %dma_wait3A_72 = tpu.memref_squeeze %dma_wait3A_71 : memref<1x256xi32, #tpu.memory_space<hbm>> -> memref<256xi32, #tpu.memory_space<hbm>>
      %dma_wait3A_73 = arith.constant 0 : i32
      %dma_wait3A_74 = tpu.memref_slice %arg14[%dma_wait3A_73] : memref<24848xi32, #tpu.memory_space<vmem>> -> memref<256xi32, #tpu.memory_space<vmem>>
      tpu.wait_dma2 semaphore(%run_scoped3A : memref<!tpu.dma_semaphore, #tpu.memory_space<semaphore_mem>>) src(%dma_wait3A_74 : memref<256xi32, #tpu.memory_space<vmem>>) dst(%dma_wait3A_72 : memref<256xi32, #tpu.memory_space<hbm>>)
      tpu.yield
    }) : () -> ()
    return
  }
}

module attributes {stable_mosaic.version = 14 : i64} {
  func.func @_scores_body(%arg0: i32, %arg1: i32, %arg2: memref<512x128xf32, #tpu.memory_space<vmem>>, %arg3: memref<2048x128xf32, #tpu.memory_space<vmem>>, %arg4: memref<512x16x128xf32, #tpu.memory_space<vmem>>, %arg5: memref<16x512xf32, #tpu.memory_space<vmem>>) attributes {dimension_semantics = [#tpu.dimension_semantics<arbitrary>, #tpu.dimension_semantics<arbitrary>], iteration_bounds = array<i64: 50, 8>, scalar_prefetch = 0 : i64, scratch_operands = 0 : i64, tpu.core_type = #tpu.core_type<tc>, window_params = [{transform_indices = @transform_0, window_bounds = array<i64: 512, 128>}, {transform_indices = @transform_1, window_bounds = array<i64: 2048, 128>}, {transform_indices = @transform_2, window_bounds = array<i64: 512, 16, 128>}, {transform_indices = @transform_3, window_bounds = array<i64: 16, 512>}]} {
    %get3A = arith.constant 0 : index
    %get3A_0 = arith.constant 0 : index
    %get3A_1 = vector.load %arg2[%get3A, %get3A_0] : memref<512x128xf32, #tpu.memory_space<vmem>>, vector<512x128xf32>
    %get3A_2 = arith.constant 0 : index
    %get3A_3 = arith.constant 0 : index
    %get3A_4 = vector.load %arg3[%get3A_2, %get3A_3] : memref<2048x128xf32, #tpu.memory_space<vmem>>, vector<2048x128xf32>
    %dot_general3A = arith.constant dense<0.000000e+00> : vector<512x2048xf32>
    %dot_general3A_5 = tpu.matmul %get3A_1, %get3A_4, %dot_general3A {dimension_numbers = #tpu.dot_dimension_numbers<[1], [1], [0], [0], [0, 0, 1, 0], [], []>, transpose_lhs_hint = false} : vector<512x128xf32>, vector<2048x128xf32>, vector<512x2048xf32> -> vector<512x2048xf32>
    %mul3A = arith.constant 0.0883883461 : f32
    %mul3A_6 = vector.broadcast %mul3A : f32 to vector<512x2048xf32>
    %mul3A_7 = arith.mulf %dot_general3A_5, %mul3A_6 : vector<512x2048xf32>
    %mul3A_8 = arith.constant 2048 : i32
    %mul3A_9 = arith.muli %arg0, %mul3A_8 : i32
    %iota3A = tpu.iota {dimensions = array<i32: 1>} : vector<512x2048xi32>
    %add3A = vector.broadcast %mul3A_9 : i32 to vector<512x2048xi32>
    %add3A_10 = arith.addi %add3A, %iota3A : vector<512x2048xi32>
    %lt3A = arith.constant 100000 : i32
    %lt3A_11 = vector.broadcast %lt3A : i32 to vector<512x2048xi32>
    %lt3A_12 = arith.cmpi slt, %add3A_10, %lt3A_11 : vector<512x2048xi32>
    %jit3A = arith.constant -1.000000e+30 : f32
    %broadcast_in_dim3A = vector.broadcast %jit3A : f32 to vector<512x2048xf32>
    %select_n3A = arith.select %lt3A_12, %mul3A_7, %broadcast_in_dim3A : vector<512x2048xi1>, vector<512x2048xf32>
    %reshape3A = vector.shape_cast %select_n3A : vector<512x2048xf32> to vector<512x16x128xf32>
    %swap3A = arith.constant 0 : index
    %swap3A_13 = arith.constant 0 : index
    %swap3A_14 = arith.constant 0 : index
    %swap3A_15 = vector.load %arg4[%swap3A, %swap3A_13, %swap3A_14] : memref<512x16x128xf32, #tpu.memory_space<vmem>>, vector<512x16x128xf32>
    tpu.vector_store %arg4[%swap3A, %swap3A_13, %swap3A_14], %reshape3A {strides = array<i32>} : memref<512x16x128xf32, #tpu.memory_space<vmem>>, vector<512x16x128xf32>,
    %reshape3A_16 = vector.shape_cast %select_n3A : vector<512x2048xf32> to vector<512x16x128xf32>
    %reduce_max3A = arith.constant dense<0xFF800000> : vector<512x16xf32>
    %reduce_max3A_17 = vector.multi_reduction <maximumf>, %reshape3A_16, %reduce_max3A [2] : vector<512x16x128xf32> to vector<512x16xf32>
    %transpose3A = tpu.transpose %reduce_max3A_17, [1, 0] : vector<512x16xf32> -> vector<16x512xf32>
    %swap3A_18 = arith.constant 0 : index
    %swap3A_19 = arith.constant 0 : index
    %swap3A_20 = vector.load %arg5[%swap3A_18, %swap3A_19] : memref<16x512xf32, #tpu.memory_space<vmem>>, vector<16x512xf32>
    tpu.vector_store %arg5[%swap3A_18, %swap3A_19], %transpose3A {strides = array<i32>} : memref<16x512xf32, #tpu.memory_space<vmem>>, vector<16x512xf32>,
    return
  }
  func.func @transform_0(%arg0: i32, %arg1: i32) -> (i32, i32) {
    %c0_i32 = arith.constant 0 : i32
    %c0_i32_0 = arith.constant 0 : i32
    return %arg1, %c0_i32 : i32, i32
  }
  func.func @transform_1(%arg0: i32, %arg1: i32) -> (i32, i32) {
    %c0_i32 = arith.constant 0 : i32
    %c0_i32_0 = arith.constant 0 : i32
    return %arg0, %c0_i32 : i32, i32
  }
  func.func @transform_2(%arg0: i32, %arg1: i32) -> (i32, i32, i32) {
    %c0_i32 = arith.constant 0 : i32
    %c0_i32_0 = arith.constant 0 : i32
    return %arg1, %arg0, %c0_i32 : i32, i32, i32
  }
  func.func @transform_3(%arg0: i32, %arg1: i32) -> (i32, i32) {
    %c0_i32 = arith.constant 0 : i32
    return %arg0, %arg1 : i32, i32
  }
}

module attributes {stable_mosaic.version = 14 : i64} {
  func.func @_thresh_body(%arg0: i32, %arg1: memref<800x512xf32, #tpu.memory_space<vmem>>, %arg2: memref<1x512xf32, #tpu.memory_space<vmem>>) attributes {dimension_semantics = [#tpu.dimension_semantics<arbitrary>], iteration_bounds = array<i64: 8>, scalar_prefetch = 0 : i64, scratch_operands = 0 : i64, tpu.core_type = #tpu.core_type<tc>, window_params = [{transform_indices = @transform_0, window_bounds = array<i64: 800, 512>}, {transform_indices = @transform_1, window_bounds = array<i64: 1, 512>}]} {
    %get3A = arith.constant 0 : index
    %get3A_0 = arith.constant 0 : index
    %get3A_1 = vector.load %arg1[%get3A, %get3A_0] : memref<800x512xf32, #tpu.memory_space<vmem>>, vector<800x512xf32>
    %reshape3A = vector.shape_cast %get3A_1 : vector<800x512xf32> to vector<100x8x512xf32>
    %reduce_max3A = arith.constant dense<0xFF800000> : vector<100x512xf32>
    %reduce_max3A_2 = vector.multi_reduction <maximumf>, %reshape3A, %reduce_max3A [1] : vector<100x8x512xf32> to vector<100x512xf32>
    %broadcast_in_dim3A = arith.constant -1.000000e+30 : f32
    %broadcast_in_dim3A_3 = vector.broadcast %broadcast_in_dim3A : f32 to vector<28x512xf32>
    %concatenate3A = tpu.concatenate %reduce_max3A_2, %broadcast_in_dim3A_3 in 0 : vector<100x512xf32>, vector<28x512xf32> -> vector<128x512xf32>
    %iota3A = tpu.iota {dimensions = array<i32: 0>} : vector<128x512xi32>
    %broadcast_in_dim3A_4 = arith.constant 0.000000e+00 : f32
    %broadcast_in_dim3A_5 = vector.broadcast %broadcast_in_dim3A_4 : f32 to vector<1x512xf32>
    %scan3A = arith.constant 0 : i32
    %scan3A_6 = arith.constant 64 : i32
    %scan3A_7 = arith.addi %scan3A, %scan3A_6 : i32
    %scan3A_8 = arith.constant 1 : i32
    %scan3A_9:2 = scf.for %scan3A_12 = %scan3A to %scan3A_7 step %scan3A_8 iter_args(%scan3A_13 = %concatenate3A, %scan3A_14 = %broadcast_in_dim3A_5) -> (vector<128x512xf32>, vector<1x512xf32>)  : i32 {
      %reduce_max3A_15 = arith.constant dense<0xFF800000> : vector<512xf32>
      %reduce_max3A_16 = vector.multi_reduction <maximumf>, %scan3A_13, %reduce_max3A_15 [0] : vector<128x512xf32> to vector<512xf32>
      %broadcast_in_dim3A_17 = vector.shape_cast %reduce_max3A_16 : vector<512xf32> to vector<1x512xf32>
      %eq3A = vector.broadcast %broadcast_in_dim3A_17 : vector<1x512xf32> to vector<128x512xf32>
      %eq3A_18 = arith.cmpf oeq, %scan3A_13, %eq3A : vector<128x512xf32>
      %jit3A = arith.constant 1073741824 : i32
      %broadcast_in_dim3A_19 = vector.broadcast %jit3A : i32 to vector<128x512xi32>
      %select_n3A = arith.select %eq3A_18, %iota3A, %broadcast_in_dim3A_19 : vector<128x512xi1>, vector<128x512xi32>
      %reduce_min3A = arith.constant dense<2147483647> : vector<512xi32>
      %reduce_min3A_20 = vector.multi_reduction <minsi>, %select_n3A, %reduce_min3A [0] : vector<128x512xi32> to vector<512xi32>
      %broadcast_in_dim3A_21 = vector.shape_cast %reduce_min3A_20 : vector<512xi32> to vector<1x512xi32>
      %eq3A_22 = vector.broadcast %broadcast_in_dim3A_21 : vector<1x512xi32> to vector<128x512xi32>
      %eq3A_23 = arith.cmpi eq, %iota3A, %eq3A_22 : vector<128x512xi32>
      %jit3A_24 = arith.constant -1.000000e+30 : f32
      %broadcast_in_dim3A_25 = vector.broadcast %jit3A_24 : f32 to vector<128x512xf32>
      %select_n3A_26 = arith.select %eq3A_23, %broadcast_in_dim3A_25, %scan3A_13 : vector<128x512xi1>, vector<128x512xf32>
      scf.yield %select_n3A_26, %broadcast_in_dim3A_17 : vector<128x512xf32>, vector<1x512xf32>
    }
    %swap3A = arith.constant 0 : index
    %swap3A_10 = arith.constant 0 : index
    %swap3A_11 = vector.load %arg2[%swap3A, %swap3A_10] : memref<1x512xf32, #tpu.memory_space<vmem>>, vector<1x512xf32>
    tpu.vector_store %arg2[%swap3A, %swap3A_10], %scan3A_9#1 {strides = array<i32>} : memref<1x512xf32, #tpu.memory_space<vmem>>, vector<1x512xf32>,
    return
  }
  func.func @transform_0(%arg0: i32) -> (i32, i32) {
    %c0_i32 = arith.constant 0 : i32
    %c0_i32_0 = arith.constant 0 : i32
    return %c0_i32, %arg0 : i32, i32
  }
  func.func @transform_1(%arg0: i32) -> (i32, i32) {
    %c0_i32 = arith.constant 0 : i32
    %c0_i32_0 = arith.constant 0 : i32
    return %c0_i32, %arg0 : i32, i32
  }
}

module attributes {stable_mosaic.version = 14 : i64} {
  func.func @_select_body(%arg0: i32, %arg1: memref<512x256xf32, #tpu.memory_space<vmem>>, %arg2: memref<512x256xi32, #tpu.memory_space<vmem>>, %arg3: memref<512x64xf32, #tpu.memory_space<vmem>>, %arg4: memref<512x64xi32, #tpu.memory_space<vmem>>) attributes {dimension_semantics = [#tpu.dimension_semantics<arbitrary>], iteration_bounds = array<i64: 8>, scalar_prefetch = 0 : i64, scratch_operands = 0 : i64, tpu.core_type = #tpu.core_type<tc>, window_params = [{transform_indices = @transform_0, window_bounds = array<i64: 512, 256>}, {transform_indices = @transform_1, window_bounds = array<i64: 512, 256>}, {transform_indices = @transform_2, window_bounds = array<i64: 512, 64>}, {transform_indices = @transform_3, window_bounds = array<i64: 512, 64>}]} {
    %get3A = arith.constant 0 : index
    %get3A_0 = arith.constant 0 : index
    %get3A_1 = vector.load %arg1[%get3A, %get3A_0] : memref<512x256xf32, #tpu.memory_space<vmem>>, vector<512x256xf32>
    %get3A_2 = arith.constant 0 : index
    %get3A_3 = arith.constant 0 : index
    %get3A_4 = vector.load %arg2[%get3A_2, %get3A_3] : memref<512x256xi32, #tpu.memory_space<vmem>>, vector<512x256xi32>
    %iota3A = tpu.iota {dimensions = array<i32: 1>} : vector<512x64xi32>
    %broadcast_in_dim3A = arith.constant 0.000000e+00 : f32
    %broadcast_in_dim3A_5 = vector.broadcast %broadcast_in_dim3A : f32 to vector<512x64xf32>
    %broadcast_in_dim3A_6 = arith.constant 0 : i32
    %broadcast_in_dim3A_7 = vector.broadcast %broadcast_in_dim3A_6 : i32 to vector<512x64xi32>
    %scan3A = arith.constant 0 : i32
    %scan3A_8 = arith.constant 64 : i32
    %scan3A_9 = arith.addi %scan3A, %scan3A_8 : i32
    %scan3A_10 = arith.constant 1 : i32
    %scan3A_11:3 = scf.for %scan3A_18 = %scan3A to %scan3A_9 step %scan3A_10 iter_args(%scan3A_19 = %get3A_1, %scan3A_20 = %broadcast_in_dim3A_5, %scan3A_21 = %broadcast_in_dim3A_7) -> (vector<512x256xf32>, vector<512x64xf32>, vector<512x64xi32>)  : i32 {
      %reduce_max3A = arith.constant dense<0xFF800000> : vector<512xf32>
      %reduce_max3A_22 = vector.multi_reduction <maximumf>, %scan3A_19, %reduce_max3A [1] : vector<512x256xf32> to vector<512xf32>
      %broadcast_in_dim3A_23 = vector.shape_cast %reduce_max3A_22 : vector<512xf32> to vector<512x1xf32>
      %eq3A = vector.broadcast %broadcast_in_dim3A_23 : vector<512x1xf32> to vector<512x256xf32>
      %eq3A_24 = arith.cmpf oeq, %scan3A_19, %eq3A : vector<512x256xf32>
      %jit3A = arith.constant 1073741824 : i32
      %broadcast_in_dim3A_25 = vector.broadcast %jit3A : i32 to vector<512x256xi32>
      %select_n3A = arith.select %eq3A_24, %get3A_4, %broadcast_in_dim3A_25 : vector<512x256xi1>, vector<512x256xi32>
      %reduce_min3A = arith.constant dense<2147483647> : vector<512xi32>
      %reduce_min3A_26 = vector.multi_reduction <minsi>, %select_n3A, %reduce_min3A [1] : vector<512x256xi32> to vector<512xi32>
      %broadcast_in_dim3A_27 = vector.shape_cast %reduce_min3A_26 : vector<512xi32> to vector<512x1xi32>
      %eq3A_28 = vector.broadcast %broadcast_in_dim3A_27 : vector<512x1xi32> to vector<512x256xi32>
      %eq3A_29 = arith.cmpi eq, %get3A_4, %eq3A_28 : vector<512x256xi32>
      %eq3A_30 = vector.broadcast %scan3A_18 : i32 to vector<512x64xi32>
      %eq3A_31 = arith.cmpi eq, %iota3A, %eq3A_30 : vector<512x64xi32>
      %broadcast_in_dim3A_32 = vector.shape_cast %broadcast_in_dim3A_23 : vector<512x1xf32> to vector<512x1xf32>
      %broadcast_in_dim3A_33 = vector.broadcast %broadcast_in_dim3A_32 : vector<512x1xf32> to vector<512x64xf32>
      %select_n3A_34 = arith.select %eq3A_31, %broadcast_in_dim3A_33, %scan3A_20 : vector<512x64xi1>, vector<512x64xf32>
      %broadcast_in_dim3A_35 = vector.shape_cast %broadcast_in_dim3A_27 : vector<512x1xi32> to vector<512x1xi32>
      %broadcast_in_dim3A_36 = vector.broadcast %broadcast_in_dim3A_35 : vector<512x1xi32> to vector<512x64xi32>
      %select_n3A_37 = arith.select %eq3A_31, %broadcast_in_dim3A_36, %scan3A_21 : vector<512x64xi1>, vector<512x64xi32>
      %jit3A_38 = arith.constant -3.000000e+38 : f32
      %broadcast_in_dim3A_39 = vector.broadcast %jit3A_38 : f32 to vector<512x256xf32>
      %select_n3A_40 = arith.select %eq3A_29, %broadcast_in_dim3A_39, %scan3A_19 : vector<512x256xi1>, vector<512x256xf32>
      scf.yield %select_n3A_40, %select_n3A_34, %select_n3A_37 : vector<512x256xf32>, vector<512x64xf32>, vector<512x64xi32>
    }
    %scan3A_12 = arith.constant 64 : i32
    %swap3A = arith.constant 0 : index
    %swap3A_13 = arith.constant 0 : index
    %swap3A_14 = vector.load %arg3[%swap3A, %swap3A_13] : memref<512x64xf32, #tpu.memory_space<vmem>>, vector<512x64xf32>
    tpu.vector_store %arg3[%swap3A, %swap3A_13], %scan3A_11#1 {strides = array<i32>} : memref<512x64xf32, #tpu.memory_space<vmem>>, vector<512x64xf32>,
    %swap3A_15 = arith.constant 0 : index
    %swap3A_16 = arith.constant 0 : index
    %swap3A_17 = vector.load %arg4[%swap3A_15, %swap3A_16] : memref<512x64xi32, #tpu.memory_space<vmem>>, vector<512x64xi32>
    tpu.vector_store %arg4[%swap3A_15, %swap3A_16], %scan3A_11#2 {strides = array<i32>} : memref<512x64xi32, #tpu.memory_space<vmem>>, vector<512x64xi32>,
    return
  }
  func.func @transform_0(%arg0: i32) -> (i32, i32) {
    %c0_i32 = arith.constant 0 : i32
    %c0_i32_0 = arith.constant 0 : i32
    return %arg0, %c0_i32 : i32, i32
  }
  func.func @transform_1(%arg0: i32) -> (i32, i32) {
    %c0_i32 = arith.constant 0 : i32
    %c0_i32_0 = arith.constant 0 : i32
    return %arg0, %c0_i32 : i32, i32
  }
  func.func @transform_2(%arg0: i32) -> (i32, i32) {
    %c0_i32 = arith.constant 0 : i32
    %c0_i32_0 = arith.constant 0 : i32
    return %arg0, %c0_i32 : i32, i32
  }
  func.func @transform_3(%arg0: i32) -> (i32, i32) {
    %c0_i32 = arith.constant 0 : i32
    %c0_i32_0 = arith.constant 0 : i32
    return %arg0, %c0_i32 : i32, i32
  }
}

</mosaic_0001>

<sc_bundles>
// kernel: kernel.6.cloned.1.call-start
scs
__scs_entry_jumppad:
0x0: {  	(pc) =	sbr.rel $0x88, $3  }
0x1: {  	(tag) =	ssettag $0x0;
	lr =	simm.s32 $0x1  }
0x2: {  	[smem:$0x3F9F] =	sst lr;
	_ =	strace $0xD0000000  }
0x3: {  	_ = 	snop  }
0x4: {  	_ = 	snop  }
0x5: {  	_ = 	snop  }
0x6: {  	_ = 	snop  }
0x7: {  	_ = 	snop  }
__scs_overlays_trampoline_lowered:
0x8: {  	[smem:$0x3FAE] =	sst s0  }
0x9: {  	[smem:$0x3FAF] =	sst s1  }
0xa: {  	[smem:$0x3FB0] =	sst s2  }
0xb: {  	[smem:$0x3FB1] =	sst s3  }
0xc: {  	[smem:$0x3FB2] =	sst s4  }
0xd: {  	[smem:$0x3FB3] =	sst s5  }
0xe: {  	[smem:$0x3FB4] =	sst s6  }
0xf: {  	[smem:$0x3FB5] =	sst s7  }
0x10: {  	[smem:$0x3FB6] =	sst s8  }
0x11: {  	[smem:$0x3FB7] =	sst s9;
	s0 =	simm.s32 @!p0 $0x0  }
0x12: {  	s1 =	sld [smem:$0x3F9D];
	s0 =	simm.s32 @p0 $0x1  }
0x13: {  	[smem:$0x3FB8] =	sst s0;
	s0 =	simm.s32 @!p1 $0x0  }
0x14: {  	s2 =	sld [smem:$0x3F9C];
	s0 =	simm.s32 @p1 $0x1  }
0x15: {  	[smem:$0x3FB9] =	sst s0;
	s0 =	simm.s32 @!p2 $0x0  }
0x16: {  	s3 =	sld [smem:$0x3FDB];
	s0 =	simm.s32 @p2 $0x1  }
0x17: {  	s4 =	simm.s32 $0x1BF5;
	[smem:$0x3FBB] =	sst s0  }
0x18: {  	s0 =	sld [smem:$0x3F9E];
	_ =	swait.ge [sflag:s4], $0x0  }
0x19: {  	s7 =	sld [smem:$0x3F9F]  }
0x1a: {  	s8 =	sadd.s32 $0xFFFFE003, lr  }
0x1b: {  	s9 =	sadd.s32 $0xFFFFFEF7, lr;
	s5 =	simm.s32 $0xFFFFFFFF;
	p2 =	slt.u32 s8, $0xFFFFF086  }
0x1c: {  	p1 =	slt.u32 s9, $0xF7A;
	s5 =	simm.s32 @!p2 $0x0  }
0x1d: {  	s5 =	simm.s32 @p1 $0x1;
	p0 =	seq.s32 s7, s2  }
0x1e: {  	s7 =	smul.u32 @!p0 $0xF7A, s2;
	p2 =	seq.s32 @!p0 s5, $0x0  }
0x1f: {  	s9 =	smul.u32 $0xF7A, s1;
	s8 =	simm.s32 @!p0 $0x1BF5;
	p2 =	por !p2, p0  }
0x20: {  	[sflag:s8] =	ssyncset.s32 @!p0 $0xFFFFF086;
	s6 =	sadd.s32 @!p0 s3, s7;
	s7 =	simm.s32 @!p0 $0x108  }
0x21: {  	s3 =	sadd.s32 s3, s9;
	s6 =	sadd.s32 @!p0 $0x88, s6;
	s7 =	simm.s32 @p2 $0x1082  }
0x22: {  	[simem:s7], [sflag:s8] =	dma.local @!p0 [hbm:s6], $0xF7A  }
0x23: {  	s9 =	sor.u32 $0xD0000000, s2;
	s6 =	simm.s32 $0x108;
	_ =	swait.ge @!p0 [sflag:s8], $0x0  }
0x24: {  	s3 =	sadd.s32 $0x88, s3;
	s6 =	simm.s32 @!p1 $0x1082;
	[sflag:s4] =	ssyncset.s32 $0xFFFFF086  }
0x25: {  	[simem:s6], [sflag:s4] =	dma.local [hbm:s3], $0xF7A  }
0x26: {  	[smem:$0x3F9F] =	sst s1;
	(tag) =	ssettag s2;
	_ =	strace s9  }
0x27: {  	s1 =	sld [smem:$0x3FAF]  }
0x28: {  	s2 =	sld [smem:$0x3FB0]  }
0x29: {  	s4 =	sld [smem:$0x3FB2]  }
0x2a: {  	p0 =	seq.s32 s5, $0x0;
	s5 =	sld [smem:$0x3FB3]  }
0x2b: {  	s6 =	sld [smem:$0x3FB4]  }
0x2c: {  	s7 =	sld [smem:$0x3FB5]  }
0x2d: {  	s3 =	simm.s32 $0x108;
	s8 =	sld [smem:$0x3FB6]  }
0x2e: {  	s3 =	simm.s32 @!p0 $0x1082;
	s9 =	sld [smem:$0x3FB7]  }
0x2f: {  	lr =	sadd.s32 s0, s3;
	s0 =	sld [smem:$0x3FAE]  }
0x30: {  	s3 =	sld [smem:$0x3FB1]  }
0x31: {  	[smem:$0x3FBA] =	sst s10  }
0x32: {  	s10 =	sld [smem:$0x3FB8];
	_ =	sdelay $0x3  }
0x33: {  	p0 =	seq.s32 s10, $0x1;
	s10 =	sld [smem:$0x3FBA];
	_ =	sdelay $0x3  }
0x34: {  	[smem:$0x3FBA] =	sst s10  }
0x35: {  	s10 =	sld [smem:$0x3FB9];
	_ =	sdelay $0x3  }
0x36: {  	p1 =	seq.s32 s10, $0x1;
	s10 =	sld [smem:$0x3FBA];
	_ =	sdelay $0x3  }
0x37: {  	[smem:$0x3FBA] =	sst s10  }
0x38: {  	s10 =	sld [smem:$0x3FBB]  }
0x39: {  	_ = 	snop;
	(pc) =	sbr.ind lr, $3  }
0x3a: {  	_ = 	snop  }
0x3b: {  	_ = 	snop  }
0x3c: {  	p2 =	seq.s32 s10, $0x1;
	s10 =	sld [smem:$0x3FBA]  }
0x3d: {  	_ =	shalt  }
0x3e: {  	_ =	shalt  }
0x3f: {  	_ =	shalt  }
0x40: {  	_ =	shalt  }
0x41: {  	_ =	shalt  }
0x42: {  	_ =	shalt  }
0x43: {  	_ =	shalt  }
0x44: {  	_ =	shalt  }
0x45: {  	_ =	shalt  }
0x46: {  	_ =	shalt  }
0x47: {  	_ =	shalt  }
0x48: {  	_ =	shalt  }
0x49: {  	_ =	shalt  }
0x4a: {  	_ =	shalt  }
0x4b: {  	_ =	shalt  }
0x4c: {  	_ =	shalt  }
0x4d: {  	_ =	shalt  }
0x4e: {  	_ =	shalt  }
0x4f: {  	_ =	shalt  }
0x50: {  	_ =	shalt  }
0x51: {  	_ =	shalt  }
0x52: {  	_ =	shalt  }
0x53: {  	_ =	shalt  }
0x54: {  	_ =	shalt  }
0x55: {  	_ =	shalt  }
0x56: {  	_ =	shalt  }
0x57: {  	_ =	shalt  }
0x58: {  	_ =	shalt  }
0x59: {  	_ =	shalt  }
0x5a: {  	_ =	shalt  }
0x5b: {  	_ =	shalt  }
0x5c: {  	_ =	shalt  }
0x5d: {  	_ =	shalt  }
0x5e: {  	_ =	shalt  }
0x5f: {  	_ =	shalt  }
0x60: {  	_ =	shalt  }
0x61: {  	_ =	shalt  }
0x62: {  	_ =	shalt  }
0x63: {  	_ =	shalt  }
0x64: {  	_ =	shalt  }
0x65: {  	_ =	shalt  }
0x66: {  	_ =	shalt  }
0x67: {  	_ =	shalt  }
0x68: {  	_ =	shalt  }
0x69: {  	_ =	shalt  }
0x6a: {  	_ =	shalt  }
0x6b: {  	_ =	shalt  }
0x6c: {  	_ =	shalt  }
0x6d: {  	_ =	shalt  }
0x6e: {  	_ =	shalt  }
0x6f: {  	_ =	shalt  }
0x70: {  	_ =	shalt  }
0x71: {  	_ =	shalt  }
0x72: {  	_ =	shalt  }
0x73: {  	_ =	shalt  }
0x74: {  	_ =	shalt  }
0x75: {  	_ =	shalt  }
0x76: {  	_ =	shalt  }
0x77: {  	_ =	shalt  }
0x78: {  	_ =	shalt  }
0x79: {  	_ =	shalt  }
0x7a: {  	_ =	shalt  }
0x7b: {  	_ =	shalt  }
0x7c: {  	_ =	shalt  }
0x7d: {  	_ =	shalt  }
0x7e: {  	_ =	shalt  }
0x7f: {  	_ =	shalt  }
0x80: {  	_ =	shalt  }
0x81: {  	_ =	shalt  }
0x82: {  	_ =	shalt  }
0x83: {  	_ =	shalt  }
0x84: {  	_ =	shalt  }
0x85: {  	_ =	shalt  }
0x86: {  	_ =	shalt  }
0x87: {  	_ =	shalt  }
.Lfunc_end0:
.L_simem_size_0:
called_computation_lowered:
.L_overlay_start_0:
0x88: {  	s2 =	sld [smem:$0x3FD9]  }
0x89: {  	s3 =	sld [smem:$0x3FFE];
	_ =	sdelay $0x1  }
0x8a: {  	s1 =	srdreg.scid  }
0x8b: {  	s0 =	sand.u32 $0x1, s1  }
0x8c: {  	s14 =	sshll.u32 s0, $0xA;
	s2 =	sadd.s32 s3, s2  }
0x8d: {  	s2 =	sadd.s32 s2, s14  }
0x8e: {  	[smem:$0x3FC6] =	sst s2  }
0x8f: {  	_ = 	snop  }
0x90: {  	s2 =	sld [smem:$0x3FD0];
	_ =	sdelay $0x2  }
0x91: {  	s15 =	simm.s32 $0xA;
	s4 =	simm.s32 $0x10  }
0x92: {  	[smem:s4], [sflag:s15] =	dma.local [hbm:s2], $0x1  }
0x93: {  	_ =	swait.eq [sflag:s15], $0x1  }
0x94: {  	[sflag:s15] =	ssyncset.done $0x0  }
0x95: {  	[sflag:s15] =	ssyncadd.s32 $0xFFFFFFFF  }
0x96: {  	s16 =	sld [smem:$0x11];
	(tm) =	ssettm $0x1  }
0x97: {  	s17 =	sld [smem:$0x3FFB];
	_ =	sdelay $0x3  }
0x98: {  	_ =	strace s17  }
0x99: {  	s3 =	sld [smem:$0x3FFC];
	_ =	sdelay $0x3  }
0x9a: {  	_ =	strace s3  }
0x9b: {  	s3 =	sld [smem:$0x3FFD];
	_ =	sdelay $0x3  }
0x9c: {  	_ =	strace s3  }
0x9d: {  	_ =	strace $0x8FFFFFFF  }
0x9e: {  	s18 =	sld [smem:$0x3FDB];
	_ =	sdelay $0x1  }
0x9f: {  	s19 =	simm.s32 $_scs_section_size  }
0xa0: {  	s5 =	simm.s32 $_size__tile_overlayer_lowered;
	s6 =	simm.s32 $_tile_overlayer_lowered  }
0xa1: {  	s22 =	simm.s32 $0x1BFF;
	s21 =	sshll.u32 s6, $0x1;
	s3 =	sadd.s32 s19, s18  }
0xa2: {  	s7 =	simm.s32 $0x0;
	s20 =	sshll.u32 s5, $0x1;
	s5 =	sadd.s32 s21, s3  }
0xa3: {  	[timem:s7], [sflag:s22] =	dma.local [hbm:s5], s20  }
0xa4: {  	_ =	swait.ge [sflag:s22], s20  }
0xa5: {  	s4 =	ssub.s32 $0x0, s20;
	[sflag:s22] =	ssyncset.done $0x0  }
0xa6: {  	[sflag:s22] =	ssyncadd.s32 s4;
	_ =	sdelay $0x1  }
0xa7: {  	s23 =	simm.s32 $0x1B8B  }
0xa8: {  	_ =	swait.ge [sflag:s23], $0x1  }
0xa9: {  	[sflag:s23] =	ssyncset.done $0x0  }
0xaa: {  	s25 =	simm.s32 $0x1B8E;
	s24 =	sld [smem:$0x3FFE];
	[sflag:s23] =	ssyncadd.s32 $0xFFFFFFFF  }
0xab: {  	s26 =	simm.s32 $execute0_lowered;
	[smem:$0x3FD2] =	sst s25  }
0xac: {  	s5 =	sshll.u32 s26, $0x1;
	_ =	strace $0x80000046;
	[dreg:$0x1] =	wrdreg $0xFFFFFFFF  }
0xad: {  	s28 =	simm.s32 $_size_execute0_lowered;
	s3 =	sadd.s32 s3, s5;
	[dreg:$0x0] =	wrdreg $0x0  }
0xae: {  	s5 =	sshll.u32 s28, $0x1;
	[dreg:$0x2] =	wrdreg s3  }
0xaf: {  	[dreg:$0x3] =	wrdreg s5  }
0xb0: {  	[dreg:$0x4] =	wrdreg $0xC0  }
0xb1: {  	_ =	task [dreg:s7], $0x5FFFF  }
0xb2: {  	[dreg:$0x1] =	wrdreg $0xFFFFFFFF  }
0xb3: {  	[dreg:$0x0] =	wrdreg $0x60  }
0xb4: {  	[dreg:$0x2] =	wrdreg s24  }
0xb5: {  	[dreg:$0x3] =	wrdreg s16  }
0xb6: {  	[dreg:$0x4] =	wrdreg $0x9  }
0xb7: {  	_ =	task.clear_ibuf [dreg:s7], $0x5FFFF;
	_ =	strace $0x90000046  }
0xb8: {  	s29 =	simm.s32 $0x9;
	_ =	strace $0x80000048  }
0xb9: {  	_ =	swait.ge [sflag:s29], $0x1  }
0xba: {  	[sflag:s29] =	ssyncadd.s32 $0xFFFFFFFF  }
0xbb: {  	_ =	strace $0x90000048  }
0xbc: {  	_ =	sfence  }
0xbd: {  	s30 =	sld [smem:$0x0];
	_ =	sdelay $0x2  }
0xbe: {  	s31 =	sshll.u32 s1, $0xD;
	s1 =	sshrl.u32 s1, $0x2  }
0xbf: {  	s3 =	sand.u32 $0x4000, s31;
	s1 =	sadd.s32 s1, s30  }
0xc0: {  	s0 =	sor.u32 s3, s0;
	s1 =	sshll.u32 s1, $0x11  }
0xc1: {  	s0 =	sor.u32 s1, s0  }
0xc2: {  	s0 =	sadd.s32 $0x8F2B, s0  }
0xc3: {  	[sflag:s0] =	ssyncadd.remote.s32 $0x1  }
0xc4: {  	_ =	sfence.sel $0xFFFF  }
0xc5: {  	[dreg:$0x0] =	wrdreg $0xFFFFFFFF;
	(pc) =	sbr.abs _section_cstart, $3  }
0xc6: {  	[dreg:$0x1] =	wrdreg $0xFFFFFFFF  }
0xc7: {  	_ =	task.clear_ibuf [dreg:s7], $0x2FFFF;
	_ =	strace $0x9FFFFFFF  }
0xc8: {  	(tm) =	ssettm $0x7FFFFFFF  }
0xc9: {  	_ =	shalt  }
tec
execute0_lowered:
.L_overlay_start_1:
0x0: {  	(tag) =	ssettag $0x1  }
0x1: {  	s0 =	rddreg [dreg:$0x0]  }
0x2: {  	s1 =	rddreg [dreg:$0x1];
	s2 =	simm.s32 $0x0;
	s25 =	srdreg.scid  }
0x3: {  	s10 =	stileid.u32;
	s14 =	simm.s32 $0x380;
	s15 =	simm.s32 $0x2  }
0x4: {  	s16 =	simm.s32 $0x80;
	s17 =	simm.s32 $0x400;
	s18 =	simm.s32 $0x60  }
0x5: {  	s19 =	simm.s32 $0xB00;
	s20 =	simm.s32 $0x780;
	s21 =	simm.s32 $0x6B00  }
0x6: {  	s22 =	simm.s32 $0x1;
	s23 =	simm.s32 $0xCB00;
	s24 =	simm.s32 $0x12C80  }
0x7: {  	[smem:$0x7FF] =	sst s2;
	s3 =	sadd.s32 $0x191400, s0;
	s2 =	sand.u32 $0x1, s25  }
0x8: {  	s4 =	sadd.s32 $0x1400, s0;
	s6 =	sshll.u32 s10, $0x8;
	s5 =	sadd.s32 $0x71400, s0  }
0x9: {  	s10 =	smul.u32 $0x32000, s10;
	_ =	strace $0x80000047;
	s7 =	sshll.u32 s2, $0x7  }
0xa: {  	s8 =	ssub.s32 $0x2, s2;
	s2 =	smul.u32 $0x19000, s2;
	s6 =	sor.u32 s7, s6  }
0xb: {  	s7 =	sadd.s32 $0x91400, s0;
	s26 =	sshrl.u32 s8, $0x1;
	s9 =	sor.u32 $0x7F, s6  }
0xc: {  	s0 =	ssub.s32 s8, s26;
	s11 =	sshrl.u32 s6, $0x3;
	s28 =	sshll.u32 s9, $0x5  }
0xd: {  	s30 =	smul.u32 $0x320, s6;
	s1 =	sadd.s32 s1, s11;
	s8 =	sand.u32 $0x1FF00, s28  }
0xe: {  	s0 =	smax.u32 s0, $0x1;
	[dreg:$0x3] =	wrdreg s1;
	s29 =	sor.u32 $0x70, s8  }
0xf: {  	s9 =	smul.u32 $0xFFFFFCE0, s9;
	[dreg:$0x6] =	wrdreg s0;
	s31 =	sadd.s32 s5, s29  }
0x10: {  	v1 =	vimm.s32 $0x0;
	v2 =	vlaneseq.u32;
	s25 =	simm.s32 $0x0;
	s1 =	sadd.s32 s7, s29;
	[dreg:$0x4] =	wrdreg s31  }
0x11: {  	v3 =	vimm.f32 $-1.000000020e+30;
	v4 =	vimm.s32 $0x7F;
	s12 =	sadd.s32 s2, s10;
	s13 =	sor.u32 $0x320, s30;
	v0 =	vmov s9;
	[dreg:$0x5] =	wrdreg s1  }
.LBB2_1:
0x12: {  	s0 =	simm.s32 $0x0;
	s1 =	rddreg [dreg:$0x3]  }
0x13: {  	[tilespmem:s14], [sflag:$0x2] =	stream.linear.gather [hbm4b:s1+s0], $0x80, $0x38;
	[tilespmem:$0x18E00] =	vst v63  }
0x14: {  	_ =	swait.ge [sflag:s15], $0x80  }
0x15: {  	s26 =	smov.u32 s13;
	s28 =	smov.u32 s12;
	[sflag:s15] =	ssyncset.done $0x0  }
0x16: {  	s2 =	simm.s32 $0x0;
	s29 =	simm.s32 $0x0;
	[sflag:s15] =	ssyncadd.s32 $0xFFFFFF80  }
.LBB2_2:
0x17: {  	s8 =	sshll.u32 s29, $0x1  }
0x18: {  	s0 =	sor.u32 s6, s8  }
0x19: {  	s30 =	sshrl.u32 s0, $0x3  }
0x1a: {  	s1 =	sshll.u32 s29, $0x8;
	s9 =	smul.u32 $0x1C00, s30  }
0x1b: {  	s31 =	sand.u32 $0x300, s1  }
0x1c: {  	v5 =	vmov s8;
	s1 =	sor.u32 s31, s9  }
0x1d: {  	v5 =	vbroadcast v5, $0x0;
	s1 =	sshrl.u32 s1, $0x3  }
0x1e: {  	s11 =	simm.s32 $0x0;
	s0 =	smul.u32 $0x320, s0;
	s1 =	sadd.s32 s4, s1  }
0x1f: {  	[tilespmem:s11], [sflag:$0x2] =	stream.strided.gather [hbm4b:s1+s16], $0x380, s17, s16, $0x38;
	[tilespmem:$0x18E00] =	vst v63  }
0x20: {  	_ =	swait.ge [sflag:s15], $0x380  }
0x21: {  	s10 =	sadd.s32 $0x31F, s0;
	[sflag:s15] =	ssyncset.done $0x0  }
0x22: {  	v7 =	vmov s10;
	[sflag:s15] =	ssyncadd.s32 $0xFFFFFC80  }
0x23: {  	v6 =	vld.idx.msk [tilespmem:v5+s14+$0x0], $0xffff;
	[tilespmem:$0x400] =	vst v7  }
0x24: {  	[tilespmem:$0x410] =	vst v7  }
0x25: {  	[tilespmem:$0x420] =	vst v7  }
0x26: {  	[tilespmem:$0x430] =	vst v7  }
0x27: {  	[tilespmem:$0x440] =	vst v7  }
0x28: {  	[tilespmem:$0x450] =	vst v7  }
0x29: {  	[tilespmem:$0x460] =	vst v7  }
0x2a: {  	[tilespmem:$0x470] =	vst v7  }
0x2b: {  	[tilespmem:$0x480] =	vst v7  }
0x2c: {  	[tilespmem:$0x490] =	vst v7  }
0x2d: {  	[tilespmem:$0x4A0] =	vst v7  }
0x2e: {  	s11 =	simm.s32 $0x0;
	[tilespmem:$0x4B0] =	vst v7  }
0x2f: {  	v7 =	vld [tilespmem:s11+$0x0];
	_ =	sdelay $0x4  }
0x30: {  	vm0 =	vge.f32 v7, v6  }
0x31: {  	v7 =	vsel vm0, $0x1, v1  }
0x32: {  	(xrf0) =	vadd.scan.msk.s32 $0xffff, v7;
	_ =	sdelay $0x5  }
0x33: {  	v7 =	vimm.s32 $0x0;
	v8, _, _ =	vpop (xrf0)  }
0x34: {  	v8 =	vadd.s32 v8, v7  }
0x35: {  	v8 =	vadd.s32 $0xFFFFFFFF, v8  }
0x36: {  	v9 =	vnsel vm0, $0x320, v8;
	v8 =	vmpcnt.ones.xlane vm0;
	_ =	sdelay $0x1  }
0x37: {  	v8 =	vadd.s32 v7, v8;
	v7 =	vor.u32 s28, v2;
	_ =	sdelay $0x2  }
0x38: {  	s10 =	simm.s32 $0x10;
	s9 =	simm.s32 $0x80;
	s1 =	smov.u32 s28;
	[tilespmem:v9+s17+$0x0] =	vst.idx.msk $0xffff, v7;
	v7 =	vmov v8  }
.LBB2_3:
0x39: {  	p0 =	sne.s32 s9, $0xC40;
	v9 =	vld [tilespmem:s10+$0x0];
	_ =	sdelay $0x4  }
0x3a: {  	vm0 =	vge.f32 v9, v6  }
0x3b: {  	v9 =	vsel vm0, $0x1, v1;
	v10 =	vmpcnt.ones.xlane vm0  }
0x3c: {  	(xrf0) =	vadd.scan.msk.s32 $0xffff, v9  }
0x3d: {  	v8 =	vadd.s32 v8, v10;
	_ =	sdelay $0x4  }
0x3e: {  	v9, _, _ =	vpop (xrf0)  }
0x3f: {  	v9 =	vadd.s32 v9, v7;
	v7 =	vmov v8  }
0x40: {  	v9 =	vadd.s32 $0xFFFFFFFF, v9  }
0x41: {  	v9 =	vnsel vm0, $0x320, v9  }
.Ltmp0:
0x42: {  	(pc) =	sbr.rel @p0 .LBB2_3-.Ltmp0, $4  }
0x43: {  	_ = 	snop  }
0x44: {  	s1 =	sadd.s32 $0x10, s1  }
0x45: {  	v10 =	vor.u32 s1, v2  }
0x46: {  	s10 =	sshra.s32 s9, $0x2;
	s9 =	sadd.s32 $0x40, s9;
	[tilespmem:v9+s17+$0x0] =	vst.idx.msk $0xffff, v10  }
0x47: {  	v9 =	vld [tilespmem:s10+$0x0];
	_ =	sdelay $0x4  }
0x48: {  	vm0 =	vge.f32 v9, v6  }
0x49: {  	v6 =	vmpcnt.ones.xlane vm0;
	_ =	sdelay $0x1  }
0x4a: {  	v9 =	vsel vm0, $0x1, v1;
	v6 =	vadd.s32 v8, v6  }
0x4b: {  	(xrf0) =	vadd.scan.msk.s32 $0xffff, v9;
	v6 =	vxor.u32 $0x80000000, v6  }
0x4c: {  	(xrf0) =	vmax.scan.msk.u32 $0xffff, v6;
	_ =	sdelay $0x4  }
0x4d: {  	v6, _, _ =	vpop (xrf0)  }
0x4e: {  	v63, _, _ =	vpop (xrf0)  }
0x4f: {  	(v2sf) =	vpush v63, $0xF;
	_ =	sdelay $0x5  }
0x50: {  	v6 =	vadd.s32 v6, v7  }
0x51: {  	v6 =	vadd.s32 $0xFFFFFFFF, v6  }
0x52: {  	v6 =	vnsel vm0, $0x320, v6;
	_ =	sdelay $0x2  }
0x53: {  	s1 =	sadd.s32 $0x10, s1  }
0x54: {  	v7 =	vor.u32 s1, v2  }
0x55: {  	p1 =	seq.s32 s29, $0x0;
	[tilespmem:v6+s17+$0x0] =	vst.idx.msk $0xffff, v7  }
0x56: {  	[tilespmem:s19], [sflag:$0x1] =	stream.indirect.gather [hbm4b:s3+s18], $0x80, s17, s18, $0xb8;
	[tilespmem:$0x18E00] =	vst v63  }
.Ltmp1:
0x57: {  	s11 =	spop (v2sf);
	(pc) =	sbr.rel @p1 .LBB2_12-.Ltmp1, $4  }
0x58: {  	s1 =	sxor.u32 $0x80000000, s11  }
0x59: {  	p0 =	slt.s32 s1, $0x61  }
0x5a: {  	s9 =	simm.s32 @!p0 $0x60;
	s10 =	simm.s32 @!p0 $0x460;
	s11 =	simm.s32 @!p0 $0x3B00  }
0x5b: {  	[tilespmem:s11], [sflag:$0x1] =	stream.indirect.gather @!p0 [hbm4b:s3+s9], $0x80, s10, s9, $0xb8;
	[tilespmem:$0x18E00] =	vst v63  }
0x5c: {  	s9 =	sadd.s32 $0xFFFFFFFF, s8  }
0x5d: {  	v6 =	vmov s9;
	_ =	sdelay $0x4  }
0x5e: {  	v6 =	vld.idx.msk [tilespmem:v6+s14+$0x0], $0xffff;
	[tilespmem:$0xCB00] =	vst v3  }
0x5f: {  	[tilespmem:$0x12C80] =	vst v1  }
0x60: {  	[tilespmem:$0xCB10] =	vst v3  }
0x61: {  	[tilespmem:$0x12C90] =	vst v1  }
0x62: {  	[tilespmem:$0xCB20] =	vst v3  }
0x63: {  	[tilespmem:$0x12CA0] =	vst v1  }
0x64: {  	[tilespmem:$0xCB30] =	vst v3  }
0x65: {  	[tilespmem:$0x12CB0] =	vst v1  }
0x66: {  	[tilespmem:$0xCB40] =	vst v3  }
0x67: {  	[tilespmem:$0x12CC0] =	vst v1  }
0x68: {  	[tilespmem:$0xCB50] =	vst v3  }
0x69: {  	[tilespmem:$0x12CD0] =	vst v1  }
0x6a: {  	[tilespmem:$0xCB60] =	vst v3  }
0x6b: {  	[tilespmem:$0x12CE0] =	vst v1  }
0x6c: {  	[tilespmem:$0xCB70] =	vst v3  }
0x6d: {  	[tilespmem:$0x12CF0] =	vst v1  }
0x6e: {  	[tilespmem:$0xCB80] =	vst v3  }
0x6f: {  	[tilespmem:$0x12D00] =	vst v1  }
0x70: {  	[tilespmem:$0xCB90] =	vst v3  }
0x71: {  	[tilespmem:$0x12D10] =	vst v1  }
0x72: {  	[tilespmem:$0xCBA0] =	vst v3  }
0x73: {  	[tilespmem:$0x12D20] =	vst v1  }
0x74: {  	[tilespmem:$0xCBB0] =	vst v3  }
0x75: {  	[tilespmem:$0x12D30] =	vst v1  }
0x76: {  	[tilespmem:$0xCBC0] =	vst v3  }
0x77: {  	[tilespmem:$0x12D40] =	vst v1  }
0x78: {  	[tilespmem:$0xCBD0] =	vst v3  }
0x79: {  	[tilespmem:$0x12D50] =	vst v1  }
0x7a: {  	[tilespmem:$0xCBE0] =	vst v3  }
0x7b: {  	p2 =	slt.s32 s2, $0xC0;
	[tilespmem:$0x12D60] =	vst v1  }
0x7c: {  	p1 =	slt.s32 s2, $0x61;
	s2 =	simm.s32 @!p2 $0xC0;
	[tilespmem:$0xCBF0] =	vst v3  }
0x7d: {  	s10 =	sshll.u32 s2, $0x3;
	[tilespmem:$0x12D70] =	vst v1  }
0x7e: {  	p2 =	sgt.s32 s10, $0x0;
	_ =	swait.ge [sflag:s22], $0x3000  }
.Ltmp2:
0x7f: {  	[sflag:s22] =	ssyncset.done $0x0;
	(pc) =	sbr.rel @!p2 .LBB2_9-.Ltmp2, $4  }
0x80: {  	s11 =	simm.s32 @!p1 $0x1;
	[sflag:s22] =	ssyncadd.s32 $0xFFFFD000  }
0x81: {  	_ =	swait.ge @!p1 [sflag:s11], $0x3000  }
0x82: {  	[sflag:s11] =	ssyncset.done @!p1 $0x0  }
0x83: {  	[sflag:s11] =	ssyncadd.s32 @!p1 $0xFFFFD000  }
0x84: {  	p1 =	seq.s32 s10, $0x1  }
.Ltmp3:
0x85: {  	_ = 	snop;
	(pc) =	sbr.rel @p1 .LBB2_8-.Ltmp3, $4  }
0x86: {  	_ = 	snop  }
0x87: {  	s2 =	simm.s32 $0x0  }
0x88: {  	s11 =	sand.u32 $0xFFFFFFF0, s2  }
0x89: {  	v7 =	vimm.s32 $0x0;
	s10 =	sadd.s32 $0xFFFFFFFF, s10;
	v9 =	vimm.s32 $0x0;
	v8 =	vld [tilespmem:s11+$0x6B00]  }
.LBB2_7:
0x8a: {  	p1 =	seq.s32 s10, $0x1;
	_ =	sdelay $0x3  }
0x8b: {  	vm0 =	vge.f32 v8, v6  }
0x8c: {  	v10 =	vsel vm0, $0x1, v1;
	v11 =	vmpcnt.ones.xlane vm0  }
0x8d: {  	(xrf0) =	vadd.scan.msk.s32 $0xffff, v10  }
0x8e: {  	v9 =	vadd.s32 v9, v11;
	_ =	sdelay $0x4  }
0x8f: {  	v10, _, _ =	vpop (xrf0)  }
0x90: {  	v10 =	vadd.s32 v10, v7;
	v7 =	vmov v9  }
0x91: {  	v10 =	vadd.s32 $0xFFFFFFFF, v10  }
0x92: {  	v10 =	vnsel vm0, $0x6100, v10;
	_ =	sdelay $0x2  }
.Ltmp4:
0x93: {  	(pc) =	sbr.rel @!p1 .LBB2_7-.Ltmp4, $4  }
0x94: {  	_ = 	snop  }
0x95: {  	[tilespmem:v10+s23+$0x0] =	vst.idx.msk $0xffff, v8;
	v8 =	vor.u32 s2, v2;
	s2 =	sadd.s32 $0x10, s2  }
0x96: {  	s11 =	sand.u32 $0xFFFFFFF0, s2;
	[tilespmem:v10+s24+$0x0] =	vst.idx.msk $0xffff, v8  }
0x97: {  	s10 =	sadd.s32 $0xFFFFFFFF, s10;
	v8 =	vld [tilespmem:s11+$0x6B00]  }
.LBB2_8:
0x98: {  	_ =	sdelay $0x3  }
0x99: {  	vm0 =	vge.f32 v8, v6  }
0x9a: {  	v6 =	vsel vm0, $0x1, v1  }
0x9b: {  	(xrf0) =	vadd.scan.msk.s32 $0xffff, v6;
	_ =	sdelay $0x5  }
0x9c: {  	v6, _, _ =	vpop (xrf0)  }
0x9d: {  	v6 =	vadd.s32 v6, v7  }
0x9e: {  	v6 =	vadd.s32 $0xFFFFFFFF, v6  }
0x9f: {  	v6 =	vnsel vm0, $0x6100, v6;
	_ =	sdelay $0x4  }
0xa0: {  	v7 =	vor.u32 s2, v2;
	[tilespmem:v6+s23+$0x0] =	vst.idx.msk $0xffff, v8  }
0xa1: {  	[tilespmem:v6+s24+$0x0] =	vst.idx.msk $0xffff, v7  }
.LBB2_9:
0xa2: {  	s10 =	sadd.s32 s6, s9  }
0xa3: {  	s2 =	smul.u32 $0xFFFFFCE0, s10;
	_ =	sdelay $0x1  }
0xa4: {  	s11 =	simm.s32 $0x40;
	v6 =	vmov s2;
	s2 =	simm.s32 $0x0  }
.LBB2_10:
0xa5: {  	p1 =	sne.s32 s11, $0x3C0;
	v7 =	vld [tilespmem:s2+$0x12C80];
	_ =	sdelay $0x4  }
0xa6: {  	v8 =	vshrl.u32 v7, $0x7;
	_ =	sdelay $0x4  }
0xa7: {  	v8 =	vld.idx.msk [tilespmem:v8+s20+$0x0], $0xffff;
	_ =	sdelay $0x4  }
.Ltmp5:
0xa8: {  	(pc) =	sbr.rel @p1 .LBB2_10-.Ltmp5, $4  }
0xa9: {  	v8 =	vadd.s32 v6, v8  }
0xaa: {  	v7 =	vand.u32 $0x7F, v7;
	v8 =	vshll.u32 v8, $0x7  }
0xab: {  	v7 =	vor.u32 v7, v8  }
0xac: {  	[tilespmem:s2+$0x12C80] =	vst v7;
	s2 =	sshra.s32 s11, $0x2;
	s11 =	sadd.s32 $0x40, s11  }
0xad: {  	v7 =	vld [tilespmem:s2+$0x12C80];
	_ =	sdelay $0x4  }
0xae: {  	v8 =	vshrl.u32 v7, $0x7;
	_ =	sdelay $0x4  }
0xaf: {  	v8 =	vld.idx.msk [tilespmem:v8+s20+$0x0], $0xffff;
	_ =	sdelay $0x3  }
0xb0: {  	s10 =	sshll.u32 s10, $0x8;
	s9 =	sshll.u32 s9, $0x7  }
0xb1: {  	s10 =	sand.u32 $0xFFFFF800, s10;
	s9 =	sand.u32 $0x380, s9;
	v6 =	vadd.s32 v6, v8  }
0xb2: {  	s9 =	sor.u32 s9, s10;
	v7 =	vand.u32 $0x7F, v7;
	v6 =	vshll.u32 v6, $0x7  }
0xb3: {  	s9 =	sshrl.u32 s9, $0x3;
	v6 =	vor.u32 v7, v6  }
0xb4: {  	s10 =	sadd.s32 s5, s9;
	[tilespmem:s2+$0x12C80] =	vst v6  }
0xb5: {  	[hbm4b:s10+s16] =	stream.strided.scatter [tilespmem:s23], [sflag:$0x2], $0x100, s17, s16, $0x38;
	[tilespmem:$0x18E00] =	vst v63  }
0xb6: {  	_ =	swait.ge [sflag:s15], $0x100  }
0xb7: {  	[sflag:s15] =	ssyncset.done $0x0  }
0xb8: {  	s11 =	sadd.s32 s7, s9;
	[sflag:s15] =	ssyncadd.s32 $0xFFFFFF00  }
0xb9: {  	[hbm4b:s11+s16] =	stream.strided.scatter [tilespmem:s24], [sflag:$0x2], $0x100, s17, s16, $0x38;
	[tilespmem:$0x18E00] =	vst v63  }
0xba: {  	_ =	swait.ge [sflag:s15], $0x100  }
0xbb: {  	[sflag:s15] =	ssyncset.done $0x0  }
0xbc: {  	[sflag:s15] =	ssyncadd.s32 $0xFFFFFF00  }
.LBB2_12:
0xbd: {  	s2 =	sor.u32 $0x1, s8  }
0xbe: {  	s8 =	sor.u32 s6, s2  }
0xbf: {  	s9 =	sshrl.u32 s8, $0x3  }
0xc0: {  	s10 =	sshll.u32 s2, $0x7;
	s9 =	smul.u32 $0x1C00, s9  }
0xc1: {  	s10 =	sand.u32 $0x380, s10  }
0xc2: {  	s9 =	sor.u32 s10, s9  }
0xc3: {  	s9 =	sshrl.u32 s9, $0x3  }
0xc4: {  	s11 =	simm.s32 $0x0;
	v6 =	vmov s2;
	s10 =	smul.u32 $0x320, s8;
	s9 =	sadd.s32 s4, s9  }
0xc5: {  	[tilespmem:s11], [sflag:$0x2] =	stream.strided.gather [hbm4b:s9+s16], $0x380, s17, s16, $0x38;
	[tilespmem:$0x18E00] =	vst v63  }
0xc6: {  	_ =	swait.ge [sflag:s15], $0x380  }
0xc7: {  	s2 =	sadd.s32 $0x31F, s10;
	[sflag:s15] =	ssyncset.done $0x0  }
0xc8: {  	v7 =	vmov s2;
	[sflag:s15] =	ssyncadd.s32 $0xFFFFFC80  }
0xc9: {  	v6 =	vld.idx.msk [tilespmem:v6+s14+$0x0], $0xffff;
	[tilespmem:$0x780] =	vst v7  }
0xca: {  	[tilespmem:$0x790] =	vst v7  }
0xcb: {  	[tilespmem:$0x7A0] =	vst v7  }
0xcc: {  	[tilespmem:$0x7B0] =	vst v7  }
0xcd: {  	[tilespmem:$0x7C0] =	vst v7  }
0xce: {  	[tilespmem:$0x7D0] =	vst v7  }
0xcf: {  	[tilespmem:$0x7E0] =	vst v7  }
0xd0: {  	[tilespmem:$0x7F0] =	vst v7  }
0xd1: {  	[tilespmem:$0x800] =	vst v7  }
0xd2: {  	[tilespmem:$0x810] =	vst v7  }
0xd3: {  	[tilespmem:$0x820] =	vst v7  }
0xd4: {  	s11 =	simm.s32 $0x0;
	[tilespmem:$0x830] =	vst v7  }
0xd5: {  	v7 =	vld [tilespmem:s11+$0x0];
	_ =	sdelay $0x4  }
0xd6: {  	vm0 =	vge.f32 v7, v6  }
0xd7: {  	v7 =	vsel vm0, $0x1, v1  }
0xd8: {  	(xrf0) =	vadd.scan.msk.s32 $0xffff, v7;
	_ =	sdelay $0x5  }
0xd9: {  	v7 =	vimm.s32 $0x0;
	v8, _, _ =	vpop (xrf0)  }
0xda: {  	v8 =	vadd.s32 v8, v7  }
0xdb: {  	v8 =	vadd.s32 $0xFFFFFFFF, v8  }
0xdc: {  	v9 =	vnsel vm0, $0x320, v8;
	v8 =	vmpcnt.ones.xlane vm0;
	_ =	sdelay $0x1  }
0xdd: {  	v8 =	vadd.s32 v7, v8;
	v7 =	vor.u32 s26, v2;
	_ =	sdelay $0x2  }
0xde: {  	s8 =	simm.s32 $0x80;
	s9 =	simm.s32 $0x10;
	s2 =	smov.u32 s26;
	[tilespmem:v9+s20+$0x0] =	vst.idx.msk $0xffff, v7;
	v7 =	vmov v8  }
.LBB2_13:
0xdf: {  	p1 =	sne.s32 s8, $0xC40;
	v9 =	vld [tilespmem:s9+$0x0];
	_ =	sdelay $0x4  }
0xe0: {  	vm0 =	vge.f32 v9, v6  }
0xe1: {  	v9 =	vsel vm0, $0x1, v1;
	v10 =	vmpcnt.ones.xlane vm0  }
0xe2: {  	(xrf0) =	vadd.scan.msk.s32 $0xffff, v9  }
0xe3: {  	v8 =	vadd.s32 v8, v10;
	_ =	sdelay $0x4  }
0xe4: {  	v9, _, _ =	vpop (xrf0)  }
0xe5: {  	v9 =	vadd.s32 v9, v7;
	v7 =	vmov v8  }
0xe6: {  	v9 =	vadd.s32 $0xFFFFFFFF, v9  }
0xe7: {  	v9 =	vnsel vm0, $0x320, v9  }
.Ltmp6:
0xe8: {  	(pc) =	sbr.rel @p1 .LBB2_13-.Ltmp6, $4  }
0xe9: {  	_ = 	snop  }
0xea: {  	s2 =	sadd.s32 $0x10, s2  }
0xeb: {  	v10 =	vor.u32 s2, v2  }
0xec: {  	s9 =	sshra.s32 s8, $0x2;
	s8 =	sadd.s32 $0x40, s8;
	[tilespmem:v9+s20+$0x0] =	vst.idx.msk $0xffff, v10  }
0xed: {  	v9 =	vld [tilespmem:s9+$0x0];
	_ =	sdelay $0x4  }
0xee: {  	vm0 =	vge.f32 v9, v6  }
0xef: {  	v6 =	vmpcnt.ones.xlane vm0;
	_ =	sdelay $0x1  }
0xf0: {  	v9 =	vsel vm0, $0x1, v1;
	v6 =	vadd.s32 v8, v6  }
0xf1: {  	(xrf0) =	vadd.scan.msk.s32 $0xffff, v9;
	v6 =	vxor.u32 $0x80000000, v6  }
0xf2: {  	(xrf0) =	vmax.scan.msk.u32 $0xffff, v6;
	_ =	sdelay $0x4  }
0xf3: {  	v6, _, _ =	vpop (xrf0)  }
0xf4: {  	v63, _, _ =	vpop (xrf0)  }
0xf5: {  	(v2sf) =	vpush v63, $0xF;
	_ =	sdelay $0x5  }
0xf6: {  	v6 =	vadd.s32 v6, v7  }
0xf7: {  	v6 =	vadd.s32 $0xFFFFFFFF, v6  }
0xf8: {  	v6 =	vnsel vm0, $0x320, v6;
	_ =	sdelay $0x2  }
0xf9: {  	s2 =	sadd.s32 $0x10, s2  }
0xfa: {  	v7 =	vor.u32 s2, v2  }
0xfb: {  	[tilespmem:v6+s20+$0x0] =	vst.idx.msk $0xffff, v7  }
0xfc: {  	[tilespmem:s21], [sflag:$0x1] =	stream.indirect.gather [hbm4b:s3+s18], $0x80, s20, s18, $0xb8;
	[tilespmem:$0x18E00] =	vst v63  }
0xfd: {  	s11 =	spop (v2sf)  }
0xfe: {  	s2 =	sxor.u32 $0x80000000, s11  }
0xff: {  	p1 =	slt.s32 s2, $0x61  }
0x100: {  	s8 =	simm.s32 @!p1 $0x60;
	s9 =	simm.s32 @!p1 $0x7E0;
	s10 =	simm.s32 @!p1 $0x9B00  }
0x101: {  	[tilespmem:s10], [sflag:$0x1] =	stream.indirect.gather @!p1 [hbm4b:s3+s8], $0x80, s9, s8, $0xb8;
	[tilespmem:$0x18E00] =	vst v63  }
0x102: {  	v5 =	vld.idx.msk [tilespmem:v5+s14+$0x0], $0xffff;
	[tilespmem:$0xCB00] =	vst v3  }
0x103: {  	[tilespmem:$0x12C80] =	vst v1  }
0x104: {  	[tilespmem:$0xCB10] =	vst v3  }
0x105: {  	[tilespmem:$0x12C90] =	vst v1  }
0x106: {  	[tilespmem:$0xCB20] =	vst v3  }
0x107: {  	[tilespmem:$0x12CA0] =	vst v1  }
0x108: {  	[tilespmem:$0xCB30] =	vst v3  }
0x109: {  	[tilespmem:$0x12CB0] =	vst v1  }
0x10a: {  	[tilespmem:$0xCB40] =	vst v3  }
0x10b: {  	[tilespmem:$0x12CC0] =	vst v1  }
0x10c: {  	[tilespmem:$0xCB50] =	vst v3  }
0x10d: {  	[tilespmem:$0x12CD0] =	vst v1  }
0x10e: {  	[tilespmem:$0xCB60] =	vst v3  }
0x10f: {  	[tilespmem:$0x12CE0] =	vst v1  }
0x110: {  	[tilespmem:$0xCB70] =	vst v3  }
0x111: {  	[tilespmem:$0x12CF0] =	vst v1  }
0x112: {  	[tilespmem:$0xCB80] =	vst v3  }
0x113: {  	[tilespmem:$0x12D00] =	vst v1  }
0x114: {  	[tilespmem:$0xCB90] =	vst v3  }
0x115: {  	[tilespmem:$0x12D10] =	vst v1  }
0x116: {  	[tilespmem:$0xCBA0] =	vst v3  }
0x117: {  	[tilespmem:$0x12D20] =	vst v1  }
0x118: {  	[tilespmem:$0xCBB0] =	vst v3  }
0x119: {  	[tilespmem:$0x12D30] =	vst v1  }
0x11a: {  	[tilespmem:$0xCBC0] =	vst v3  }
0x11b: {  	[tilespmem:$0x12D40] =	vst v1  }
0x11c: {  	[tilespmem:$0xCBD0] =	vst v3  }
0x11d: {  	[tilespmem:$0x12D50] =	vst v1  }
0x11e: {  	[tilespmem:$0xCBE0] =	vst v3  }
0x11f: {  	p2 =	slt.s32 s1, $0xC0;
	[tilespmem:$0x12D60] =	vst v1  }
0x120: {  	s1 =	simm.s32 @!p2 $0xC0;
	[tilespmem:$0xCBF0] =	vst v3  }
0x121: {  	s8 =	sshll.u32 s1, $0x3;
	[tilespmem:$0x12D70] =	vst v1  }
0x122: {  	p2 =	sgt.s32 s8, $0x0;
	_ =	swait.ge [sflag:s22], $0x3000  }
.Ltmp7:
0x123: {  	[sflag:s22] =	ssyncset.done $0x0;
	(pc) =	sbr.rel @!p2 .LBB2_18-.Ltmp7, $4  }
0x124: {  	s9 =	simm.s32 @!p0 $0x1;
	[sflag:s22] =	ssyncadd.s32 $0xFFFFD000  }
0x125: {  	_ =	swait.ge @!p0 [sflag:s9], $0x3000  }
0x126: {  	[sflag:s9] =	ssyncset.done @!p0 $0x0  }
0x127: {  	[sflag:s9] =	ssyncadd.s32 @!p0 $0xFFFFD000  }
0x128: {  	p0 =	seq.s32 s8, $0x1  }
.Ltmp8:
0x129: {  	_ = 	snop;
	(pc) =	sbr.rel @p0 .LBB2_17-.Ltmp8, $4  }
0x12a: {  	_ = 	snop  }
0x12b: {  	s1 =	simm.s32 $0x0  }
0x12c: {  	s9 =	sand.u32 $0xFFFFFFF0, s1  }
0x12d: {  	v6 =	vimm.s32 $0x0;
	s8 =	sadd.s32 $0xFFFFFFFF, s8;
	v8 =	vimm.s32 $0x0;
	v7 =	vld [tilespmem:s9+$0xB00]  }
.LBB2_16:
0x12e: {  	p0 =	seq.s32 s8, $0x1;
	_ =	sdelay $0x3  }
0x12f: {  	vm0 =	vge.f32 v7, v5  }
0x130: {  	v9 =	vsel vm0, $0x1, v1;
	v10 =	vmpcnt.ones.xlane vm0  }
0x131: {  	(xrf0) =	vadd.scan.msk.s32 $0xffff, v9  }
0x132: {  	v8 =	vadd.s32 v8, v10;
	_ =	sdelay $0x4  }
0x133: {  	v9, _, _ =	vpop (xrf0)  }
0x134: {  	v9 =	vadd.s32 v9, v6;
	v6 =	vmov v8  }
0x135: {  	v9 =	vadd.s32 $0xFFFFFFFF, v9  }
0x136: {  	v9 =	vnsel vm0, $0x6100, v9;
	_ =	sdelay $0x2  }
.Ltmp9:
0x137: {  	(pc) =	sbr.rel @!p0 .LBB2_16-.Ltmp9, $4  }
0x138: {  	_ = 	snop  }
0x139: {  	[tilespmem:v9+s23+$0x0] =	vst.idx.msk $0xffff, v7;
	v7 =	vor.u32 s1, v2;
	s1 =	sadd.s32 $0x10, s1  }
0x13a: {  	s9 =	sand.u32 $0xFFFFFFF0, s1;
	[tilespmem:v9+s24+$0x0] =	vst.idx.msk $0xffff, v7  }
0x13b: {  	s8 =	sadd.s32 $0xFFFFFFFF, s8;
	v7 =	vld [tilespmem:s9+$0xB00]  }
.LBB2_17:
0x13c: {  	_ =	sdelay $0x3  }
0x13d: {  	vm0 =	vge.f32 v7, v5  }
0x13e: {  	v5 =	vsel vm0, $0x1, v1  }
0x13f: {  	(xrf0) =	vadd.scan.msk.s32 $0xffff, v5;
	_ =	sdelay $0x5  }
0x140: {  	v5, _, _ =	vpop (xrf0)  }
0x141: {  	v5 =	vadd.s32 v5, v6  }
0x142: {  	v5 =	vadd.s32 $0xFFFFFFFF, v5  }
0x143: {  	v5 =	vnsel vm0, $0x6100, v5;
	_ =	sdelay $0x4  }
0x144: {  	v6 =	vor.u32 s1, v2;
	[tilespmem:v5+s23+$0x0] =	vst.idx.msk $0xffff, v7  }
0x145: {  	[tilespmem:v5+s24+$0x0] =	vst.idx.msk $0xffff, v6  }
.LBB2_18:
0x146: {  	v5 =	vmov s0;
	s0 =	simm.s32 $0x0;
	s1 =	simm.s32 $0x40  }
.LBB2_19:
0x147: {  	p0 =	sne.s32 s1, $0x3C0;
	v6 =	vld [tilespmem:s0+$0x12C80];
	_ =	sdelay $0x4  }
0x148: {  	v7 =	vshrl.u32 v6, $0x7;
	_ =	sdelay $0x4  }
0x149: {  	v7 =	vld.idx.msk [tilespmem:v7+s17+$0x0], $0xffff;
	_ =	sdelay $0x4  }
.Ltmp10:
0x14a: {  	(pc) =	sbr.rel @p0 .LBB2_19-.Ltmp10, $4  }
0x14b: {  	v7 =	vsub.s32 v7, v5  }
0x14c: {  	v6 =	vand.u32 $0x7F, v6;
	v7 =	vshll.u32 v7, $0x7  }
0x14d: {  	v6 =	vor.u32 v6, v7  }
0x14e: {  	[tilespmem:s0+$0x12C80] =	vst v6;
	s0 =	sshra.s32 s1, $0x2;
	s1 =	sadd.s32 $0x40, s1  }
0x14f: {  	v6 =	vld [tilespmem:s0+$0x12C80];
	_ =	sdelay $0x4  }
0x150: {  	v7 =	vshrl.u32 v6, $0x7;
	_ =	sdelay $0x4  }
0x151: {  	v7 =	vld.idx.msk [tilespmem:v7+s17+$0x0], $0xffff;
	_ =	sdelay $0x4  }
0x152: {  	s1 =	sshll.u32 s30, $0xB;
	v5 =	vsub.s32 v7, v5  }
0x153: {  	s1 =	sor.u32 s31, s1;
	v6 =	vand.u32 $0x7F, v6;
	v5 =	vshll.u32 v5, $0x7  }
0x154: {  	s1 =	sshrl.u32 s1, $0x3;
	v5 =	vor.u32 v6, v5  }
0x155: {  	s30 =	sadd.s32 s5, s1;
	[tilespmem:s0+$0x12C80] =	vst v5  }
0x156: {  	[hbm4b:s30+s16] =	stream.strided.scatter [tilespmem:s23], [sflag:$0x2], $0x100, s17, s16, $0x38;
	[tilespmem:$0x18E00] =	vst v63  }
0x157: {  	s29 =	sadd.s32 $0x1, s29;
	_ =	swait.ge [sflag:s15], $0x100  }
0x158: {  	p0 =	sne.s32 s29, $0x40;
	[sflag:s15] =	ssyncset.done $0x0  }
.Ltmp11:
0x159: {  	s31 =	sadd.s32 s7, s1;
	[sflag:s15] =	ssyncadd.s32 $0xFFFFFF00;
	(pc) =	sbr.rel @p0 .LBB2_2-.Ltmp11, $4  }
0x15a: {  	[hbm4b:s31+s16] =	stream.strided.scatter [tilespmem:s24], [sflag:$0x2], $0x100, s17, s16, $0x38;
	[tilespmem:$0x18E00] =	vst v63  }
0x15b: {  	_ =	swait.ge [sflag:s15], $0x100  }
0x15c: {  	[sflag:s15] =	ssyncset.done $0x0  }
0x15d: {  	s28 =	sadd.s32 $0x640, s28;
	s26 =	sadd.s32 $0x640, s26;
	[sflag:s15] =	ssyncadd.s32 $0xFFFFFF00  }
0x15e: {  	_ =	sdelay $0x3  }
0x15f: {  	v5 =	vld.idx.msk [tilespmem:v4+s14+$0x0], $0xffff;
	[tilespmem:$0xCB00] =	vst v3  }
0x160: {  	[tilespmem:$0x12C80] =	vst v1  }
0x161: {  	[tilespmem:$0xCB10] =	vst v3  }
0x162: {  	[tilespmem:$0x12C90] =	vst v1  }
0x163: {  	[tilespmem:$0xCB20] =	vst v3  }
0x164: {  	[tilespmem:$0x12CA0] =	vst v1  }
0x165: {  	[tilespmem:$0xCB30] =	vst v3  }
0x166: {  	[tilespmem:$0x12CB0] =	vst v1  }
0x167: {  	[tilespmem:$0xCB40] =	vst v3  }
0x168: {  	[tilespmem:$0x12CC0] =	vst v1  }
0x169: {  	[tilespmem:$0xCB50] =	vst v3  }
0x16a: {  	[tilespmem:$0x12CD0] =	vst v1  }
0x16b: {  	[tilespmem:$0xCB60] =	vst v3  }
0x16c: {  	[tilespmem:$0x12CE0] =	vst v1  }
0x16d: {  	[tilespmem:$0xCB70] =	vst v3  }
0x16e: {  	[tilespmem:$0x12CF0] =	vst v1  }
0x16f: {  	[tilespmem:$0xCB80] =	vst v3  }
0x170: {  	[tilespmem:$0x12D00] =	vst v1  }
0x171: {  	[tilespmem:$0xCB90] =	vst v3  }
0x172: {  	[tilespmem:$0x12D10] =	vst v1  }
0x173: {  	[tilespmem:$0xCBA0] =	vst v3  }
0x174: {  	[tilespmem:$0x12D20] =	vst v1  }
0x175: {  	[tilespmem:$0xCBB0] =	vst v3  }
0x176: {  	[tilespmem:$0x12D30] =	vst v1  }
0x177: {  	[tilespmem:$0xCBC0] =	vst v3  }
0x178: {  	[tilespmem:$0x12D40] =	vst v1  }
0x179: {  	[tilespmem:$0xCBD0] =	vst v3  }
0x17a: {  	[tilespmem:$0x12D50] =	vst v1  }
0x17b: {  	[tilespmem:$0xCBE0] =	vst v3  }
0x17c: {  	[tilespmem:$0x12D60] =	vst v1;
	p0 =	slt.s32 s2, $0xC0  }
0x17d: {  	[tilespmem:$0xCBF0] =	vst v3;
	s2 =	simm.s32 @!p0 $0xC0  }
0x17e: {  	[tilespmem:$0x12D70] =	vst v1;
	s1 =	sshll.u32 s2, $0x3  }
0x17f: {  	_ =	swait.ge [sflag:s22], $0x3000;
	p0 =	slt.s32 s1, $0x1  }
.Ltmp12:
0x180: {  	[sflag:s22] =	ssyncset.done $0x0;
	(pc) =	sbr.rel @p0 .LBB2_25-.Ltmp12, $4  }
0x181: {  	s0 =	simm.s32 @!p1 $0x1;
	[sflag:s22] =	ssyncadd.s32 $0xFFFFD000  }
0x182: {  	_ =	swait.ge @!p1 [sflag:s0], $0x3000  }
0x183: {  	[sflag:s0] =	ssyncset.done @!p1 $0x0  }
0x184: {  	[sflag:s0] =	ssyncadd.s32 @!p1 $0xFFFFD000  }
0x185: {  	p0 =	sne.s32 s1, $0x1  }
.Ltmp13:
0x186: {  	_ = 	snop;
	(pc) =	sbr.rel @!p0 .LBB2_24-.Ltmp13, $4  }
0x187: {  	_ = 	snop  }
0x188: {  	s0 =	simm.s32 $0x0  }
0x189: {  	s2 =	sand.u32 $0xFFFFFFF0, s0  }
0x18a: {  	v6 =	vimm.s32 $0x0;
	s1 =	sadd.s32 $0xFFFFFFFF, s1;
	v8 =	vimm.s32 $0x0;
	v7 =	vld [tilespmem:s2+$0x6B00]  }
.LBB2_23:
0x18b: {  	p0 =	sne.s32 s1, $0x1;
	_ =	sdelay $0x3  }
0x18c: {  	vm0 =	vge.f32 v7, v5  }
0x18d: {  	v9 =	vsel vm0, $0x1, v1;
	v10 =	vmpcnt.ones.xlane vm0  }
0x18e: {  	(xrf0) =	vadd.scan.msk.s32 $0xffff, v9  }
0x18f: {  	v8 =	vadd.s32 v8, v10;
	_ =	sdelay $0x4  }
0x190: {  	v9, _, _ =	vpop (xrf0)  }
0x191: {  	v9 =	vadd.s32 v9, v6;
	v6 =	vmov v8  }
0x192: {  	v9 =	vadd.s32 $0xFFFFFFFF, v9  }
0x193: {  	v9 =	vnsel vm0, $0x6100, v9;
	_ =	sdelay $0x2  }
.Ltmp14:
0x194: {  	(pc) =	sbr.rel @p0 .LBB2_23-.Ltmp14, $4  }
0x195: {  	_ = 	snop  }
0x196: {  	[tilespmem:v9+s23+$0x0] =	vst.idx.msk $0xffff, v7;
	v7 =	vor.u32 s0, v2;
	s0 =	sadd.s32 $0x10, s0  }
0x197: {  	s2 =	sand.u32 $0xFFFFFFF0, s0;
	[tilespmem:v9+s24+$0x0] =	vst.idx.msk $0xffff, v7  }
0x198: {  	s1 =	sadd.s32 $0xFFFFFFFF, s1;
	v7 =	vld [tilespmem:s2+$0x6B00]  }
.LBB2_24:
0x199: {  	_ =	sdelay $0x3  }
0x19a: {  	vm0 =	vge.f32 v7, v5  }
0x19b: {  	v5 =	vsel vm0, $0x1, v1  }
0x19c: {  	(xrf0) =	vadd.scan.msk.s32 $0xffff, v5;
	_ =	sdelay $0x5  }
0x19d: {  	v5, _, _ =	vpop (xrf0)  }
0x19e: {  	v5 =	vadd.s32 v5, v6  }
0x19f: {  	v5 =	vadd.s32 $0xFFFFFFFF, v5  }
0x1a0: {  	v5 =	vnsel vm0, $0x6100, v5;
	_ =	sdelay $0x4  }
0x1a1: {  	v6 =	vor.u32 s0, v2;
	[tilespmem:v5+s23+$0x0] =	vst.idx.msk $0xffff, v7  }
0x1a2: {  	[tilespmem:v5+s24+$0x0] =	vst.idx.msk $0xffff, v6  }
.LBB2_25:
0x1a3: {  	s0 =	simm.s32 $0x0;
	s1 =	simm.s32 $0x40  }
.LBB2_26:
0x1a4: {  	p0 =	sne.s32 s1, $0x3C0;
	v5 =	vld [tilespmem:s0+$0x12C80];
	_ =	sdelay $0x4  }
0x1a5: {  	v6 =	vshrl.u32 v5, $0x7;
	_ =	sdelay $0x4  }
0x1a6: {  	v6 =	vld.idx.msk [tilespmem:v6+s20+$0x0], $0xffff;
	_ =	sdelay $0x4  }
.Ltmp15:
0x1a7: {  	(pc) =	sbr.rel @p0 .LBB2_26-.Ltmp15, $4  }
0x1a8: {  	v6 =	vadd.s32 v0, v6  }
0x1a9: {  	v5 =	vand.u32 $0x7F, v5;
	v6 =	vshll.u32 v6, $0x7  }
0x1aa: {  	v5 =	vor.u32 v5, v6  }
0x1ab: {  	[tilespmem:s0+$0x12C80] =	vst v5;
	s0 =	sshra.s32 s1, $0x2;
	s1 =	sadd.s32 $0x40, s1  }
0x1ac: {  	v5 =	vld [tilespmem:s0+$0x12C80];
	_ =	sdelay $0x4  }
0x1ad: {  	v6 =	vshrl.u32 v5, $0x7;
	_ =	sdelay $0x4  }
0x1ae: {  	v6 =	vld.idx.msk [tilespmem:v6+s20+$0x0], $0xffff;
	_ =	sdelay $0x4  }
0x1af: {  	v6 =	vadd.s32 v0, v6  }
0x1b0: {  	v5 =	vand.u32 $0x7F, v5;
	v6 =	vshll.u32 v6, $0x7  }
0x1b1: {  	v5 =	vor.u32 v5, v6  }
0x1b2: {  	s29 =	rddreg [dreg:$0x4];
	[tilespmem:s0+$0x12C80] =	vst v5  }
0x1b3: {  	[hbm4b:s29+s16] =	stream.strided.scatter [tilespmem:s23], [sflag:$0x2], $0x100, s17, s16, $0x38;
	[tilespmem:$0x18E00] =	vst v63  }
0x1b4: {  	_ =	swait.ge [sflag:s15], $0x100  }
0x1b5: {  	[sflag:s15] =	ssyncset.done $0x0  }
0x1b6: {  	s30 =	rddreg [dreg:$0x5];
	[sflag:s15] =	ssyncadd.s32 $0xFFFFFF00  }
0x1b7: {  	[hbm4b:s30+s16] =	stream.strided.scatter [tilespmem:s24], [sflag:$0x2], $0x100, s17, s16, $0x38;
	[tilespmem:$0x18E00] =	vst v63  }
0x1b8: {  	_ =	swait.ge [sflag:s15], $0x100  }
0x1b9: {  	s25 =	sadd.s32 $0x1, s25;
	s31 =	rddreg [dreg:$0x6]  }
0x1ba: {  	p0 =	sne.s32 s25, s31  }
.Ltmp16:
0x1bb: {  	_ = 	snop;
	(pc) =	sbr.rel @p0 .LBB2_1-.Ltmp16, $3  }
0x1bc: {  	_ =	sdelay $0x1  }
0x1bd: {  	[sflag:s15] =	ssyncset.done $0x0  }
0x1be: {  	[sflag:s15] =	ssyncadd.s32 $0xFFFFFF00  }
0x1bf: {  	_ =	sfence.sel $0x180000  }
0x1c0: {  	[bflag:$0x0] =	sbarrier.arrive $0xFFFF  }
0x1c1: {  	_ =	strace $0x90000047  }
0x1c2: {  	s0 =	stileid.u32;
	[bflag:$0x2] =	sbarrier.arrive $0xFFFF  }
0x1c3: {  	p0 =	sne.s32 s0, $0x0;
	s0 =	rddreg [dreg:$0x2]  }
0x1c4: {  	s0 =	sadd.s32 @!p0 $0x100000, s0  }
0x1c5: {  	[sflag:s0] =	ssyncadd.tile.s32 @!p0 $0x1;
	_ =	shalt  }
.Lfunc_end2:
_tile_overlayer_lowered:
.L_overlay_start_2:
0x1c6: {  	(tag) =	ssettag $0x2  }
0x1c7: {  	s0 =	rddreg [dreg:$0x0];
	s2 =	stileid.u32  }
0x1c8: {  	s1 =	rddreg [dreg:$0x1];
	p0 =	sne.s32 s2, $0x0  }
0x1c9: {  	s3 =	rddreg [dreg:$0x2];
	[bflag:$0x3] =	sbarrier.arrive $0xFFFF;
	s2 =	simm.s32 @!p0 $0x1C02  }
0x1ca: {  	[timem:s3], [sflag:s2] =	dma.local @!p0 [hbm:s0], s1  }
0x1cb: {  	s0 =	simm.s32 @!p0 $0x2  }
0x1cc: {  	_ =	swait.ge @!p0 [sflag:s0], s1  }
0x1cd: {  	s1 =	ssub.s32 @!p0 $0x0, s1;
	[sflag:s0] =	ssyncset.done @!p0 $0x0  }
0x1ce: {  	[sflag:s0] =	ssyncadd.s32 @!p0 s1  }
0x1cf: {  	[bflag:$0x3] =	sbarrier.arrive $0xFFFF  }
0x1d0: {  	_ =	shalt  }

</sc_bundles>
